<compile_context>
chip_gen: v7x
topology: tpu7x:2x2x1
jax: 0.10.2.dev20260603
libtpu: 0.0.44.dev20260713+nightly
codegen_flags: <defaults>
</compile_context>

<pallas_src>
import functools

import jax
import jax.numpy as jnp
from jax import lax
from jax.experimental import pallas as pl
from jax.experimental.pallas import tpu as pltpu
from jax.experimental.pallas import tpu_sc as plsc

N_EMB = 8192
DIM = 256
C_WEIGHT = 0.25

TM = 2048

NW = 32
CH = 128

WINDOWS = ((0, 2736), (2736, 2736), (5472, 2720))
CHUNK = 1024
LG = 128


def _group_window(gstart):
    out = []
    for w, (ws, sz) in enumerate(WINDOWS):
        lo = max(gstart, ws)
        hi = min(gstart + LG, ws + sz)
        if lo < hi:
            out.append((w, lo - gstart, hi - gstart))
    return out


def _argmin_body(z_ref, zsq_ref, emb_ref, esq_ref, idx_ref, mind_ref):
    z = z_ref[...]
    zsq = zsq_ref[...]
    z2 = z + z

    lane = lax.broadcasted_iota(jnp.int32, (TM, LG), 1).astype(jnp.float32)
    inf_g = jnp.full((TM, LG), jnp.inf, jnp.float32)

    M = [inf_g for _ in WINDOWS]
    C = [jnp.zeros((TM, LG), jnp.float32) for _ in WINDOWS]

    for cstart in range(0, N_EMB, CHUNK):
        e = emb_ref[pl.ds(cstart, CHUNK), :]
        esq = esq_ref[pl.ds(cstart, CHUNK)]
        ze2 = lax.dot_general(z2, e, (((1,), (1,)), ((), ())),
                              preferred_element_type=jnp.float32)
        d = (zsq + esq[None, :]) - ze2
        for g in range(CHUNK // LG):
            gstart = cstart + g * LG
            dg = d[:, g * LG:(g + 1) * LG]
            gc = float(gstart // LG)
            for (w, llo, lhi) in _group_window(gstart):
                if llo == 0 and lhi == LG:
                    dgw = dg
                else:
                    sel = (lane >= float(llo)) & (lane < float(lhi))
                    dgw = jnp.where(sel, dg, inf_g)
                better = dgw < M[w]
                C[w] = jnp.where(better, gc, C[w])
                M[w] = jnp.where(better, dgw, M[w])

    acc_v16 = jnp.full((TM,), jnp.inf, jnp.bfloat16)
    acc_i = jnp.zeros((TM,), jnp.float32)
    gmin = jnp.full((TM,), jnp.inf, jnp.float32)
    for w in range(len(WINDOWS)):
        m = jnp.min(M[w], axis=1)
        jvec = C[w] * float(LG) + lane
        cand = jnp.where(M[w] == m[:, None], jvec, jnp.inf)
        a = jnp.min(cand, axis=1)
        av = acc_v16.astype(jnp.float32)
        keep_v = av < m
        keep_i = keep_v | (av == m)
        acc_i = jnp.where(keep_i, acc_i, a)
        acc_v16 = jnp.where(keep_v, av, m).astype(jnp.bfloat16)
        gmin = jnp.minimum(gmin, m)
    idx_ref[...] = acc_i.astype(jnp.int32)
    mind_ref[...] = gmin


def _tc_argmin(z_flat, z_sq, embeddings, e_sq):
    m = z_flat.shape[0]
    grid = (m // TM,)
    return pl.pallas_call(
        _argmin_body,
        grid=grid,
        in_specs=[
            pl.BlockSpec((TM, DIM), lambda i: (i, 0)),
            pl.BlockSpec((TM, 1), lambda i: (i, 0)),
            pl.BlockSpec((N_EMB, DIM), lambda i: (0, 0)),
            pl.BlockSpec((N_EMB,), lambda i: (0,)),
        ],
        out_specs=[
            pl.BlockSpec((TM,), lambda i: (i,)),
            pl.BlockSpec((TM,), lambda i: (i,)),
        ],
        out_shape=[
            jax.ShapeDtypeStruct((m,), jnp.int32),
            jax.ShapeDtypeStruct((m,), jnp.float32),
        ],
        compiler_params=pltpu.CompilerParams(
            dimension_semantics=("arbitrary",),
        ),
    )(z_flat, z_sq, embeddings, e_sq)


def _sc_gather(embeddings, idx3):
    n_chunks = idx3.shape[1]
    rows_per_w = n_chunks * CH
    b = NW * rows_per_w
    mesh = plsc.VectorSubcoreMesh(core_axis_name="c", subcore_axis_name="s")

    @functools.partial(
        pl.kernel,
        mesh=mesh,
        out_type=jax.ShapeDtypeStruct((b, DIM), jnp.float32),
        scratch_types=[
            pltpu.VMEM((n_chunks, CH), jnp.int32),
            pltpu.VMEM((CH, DIM), jnp.float32),
            pltpu.VMEM((CH, DIM), jnp.float32),
            pltpu.SemaphoreType.DMA,
            pltpu.SemaphoreType.DMA,
        ],
    )
    def gather(emb_hbm, idx_hbm, out_hbm, idx_v, rows0, rows1, sem0, sem1):
        wid = lax.axis_index("s") * 2 + lax.axis_index("c")
        base = wid * rows_per_w
        pltpu.sync_copy(idx_hbm.at[wid], idx_v)

        bufs = (rows0, rows1)
        sems = (sem0, sem1)
        copies = []
        for c in range(n_chunks):
            cp = pltpu.async_copy(emb_hbm.at[idx_v.at[c]], bufs[c % 2], sems[c % 2])
            copies.append(cp)
            if c >= 1:
                copies[c - 1].wait()
                pltpu.sync_copy(bufs[(c - 1) % 2],
                                out_hbm.at[pl.ds(base + (c - 1) * CH, CH)])
        copies[-1].wait()
        pltpu.sync_copy(bufs[(n_chunks - 1) % 2],
                        out_hbm.at[pl.ds(base + (n_chunks - 1) * CH, CH)])

    return gather(embeddings, idx3)


def kernel(z, embeddings):
    input_shape = z.shape
    z_flat = z.reshape(-1, DIM)
    m = z_flat.shape[0]
    z_sq = jnp.sum(z_flat ** 2, axis=1, keepdims=True)
    e_sq = jnp.sum(embeddings ** 2, axis=1)

    idx_flat, min_d = _tc_argmin(z_flat, z_sq, embeddings, e_sq)

    idx3 = idx_flat.reshape(NW, m // (NW * CH), CH)
    z_q_flat = _sc_gather(embeddings, idx3)

    z_q = z_q_flat.reshape(input_shape)
    idx = idx_flat.reshape(input_shape[:-1])
    z_q_st = z + (z_q - z)
    loss = jnp.sum(min_d) * (C_WEIGHT / (m * DIM))
    return (z_q_st, idx, loss)

# --- scband reference (transcript-rebuilt; emitter-appended) ---
"""Pipeline reference for scband-emavector-quantizer-71047349010730 (READ-ONLY COPY).

The authoritative reference and input builder live on the scoring server;
editing this copy changes nothing except your own understanding.
"""

import jax, jax.numpy as jnp
import numpy as np

NUM_EMBEDDINGS = 8192
EMBEDDING_DIM = 256
COMMITMENT_WEIGHT = 0.25


def setup_inputs(seed: int = 0) -> dict:
    key = jax.random.key(seed)
    k1, k2 = jax.random.split(key)
    z = jax.random.normal(k1, (16, 1024, EMBEDDING_DIM), dtype=jnp.float32)
    # xavier_uniform init for the codebook buffer
    bound = float(np.sqrt(6.0 / (NUM_EMBEDDINGS + EMBEDDING_DIM)))
    embeddings = jax.random.uniform(k2, (NUM_EMBEDDINGS, EMBEDDING_DIM), minval=-bound, maxval=bound, dtype=jnp.float32)
    return {"z": z, "embeddings": embeddings}


def reference(z, embeddings):
    input_shape = z.shape
    D = input_shape[-1]
    z_flat = z.reshape(-1, D)
    # squared L2 distances via expansion: ||z||^2 + ||e||^2 - 2 z.e
    z_sq = jnp.sum(z_flat ** 2, axis=1, keepdims=True)
    e_sq = jnp.sum(embeddings ** 2, axis=1)
    ze = jnp.matmul(z_flat, embeddings.T)
    distances = z_sq + e_sq - 2.0 * ze
    indices = jnp.argmin(distances, axis=1)
    z_q_flat = jnp.take(embeddings, indices, axis=0)
    z_q = z_q_flat.reshape(input_shape)
    idx = indices.reshape(input_shape[:-1])
    # commitment loss (mse between detached z_q and z)
    commitment_loss = jnp.mean((jax.lax.stop_gradient(z_q) - z) ** 2)
    # straight-through estimator
    z_q_st = z + jax.lax.stop_gradient(z_q - z)
    loss = commitment_loss * COMMITMENT_WEIGHT
    return (z_q_st, idx, loss)

if __name__ == "__main__":
    import jax
    _d = setup_inputs()
    print(jax.jit(kernel)(*tuple(_d.values())))

</pallas_src>

<mosaic_0001>
#map = affine_map<(d0, d1) -> (0, 0)>
#map1 = affine_map<(d0, d1) -> (0, 0, 0)>
module attributes {stable_mosaic.version = 14 : i64} {
  func.func @gather(%arg0: i32, %arg1: i32, %arg2: memref<8192x256xf32, #tpu.memory_space<hbm>>, %arg3: memref<32x4x128xi32, #tpu.memory_space<hbm>>, %arg4: memref<16384x256xf32, #tpu.memory_space<hbm>>, %arg5: memref<4x128xi32, #tpu.memory_space<vmem>>, %arg6: memref<128x256xf32, #tpu.memory_space<vmem>>, %arg7: memref<128x256xf32, #tpu.memory_space<vmem>>, %arg8: memref<!tpu.dma_semaphore, #tpu.memory_space<semaphore_mem>>, %arg9: memref<!tpu.dma_semaphore, #tpu.memory_space<semaphore_mem>>) attributes {dimension_semantics = [#tpu.dimension_semantics<core_parallel>, #tpu.dimension_semantics<subcore_parallel>], iteration_bounds = array<i64: 2, 16>, scalar_prefetch = 0 : i64, scratch_operands = 5 : i64, tpu.core_type = #tpu.core_type<sc_vector_subcore>, window_params = [{transform_indices = #map}, {transform_indices = #map1}, {transform_indices = #map}]} {
    %mul3A = arith.constant 2 : i32
    %mul3A_0 = arith.muli %arg1, %mul3A : i32
    %add3A = arith.addi %mul3A_0, %arg0 : i32
    %mul3A_1 = arith.constant 512 : i32
    %mul3A_2 = arith.muli %add3A, %mul3A_1 : i32
    "tpu.region"() ({
      %run_scoped3A = tpu.sem_alloc : memref<!tpu.dma_semaphore, #tpu.memory_space<semaphore_mem>>
      %dma_start3A_65 = arith.constant 0 : i32
      %dma_start3A_66 = arith.constant 0 : i32
      %dma_start3A_67 = tpu.memref_slice %arg3[%add3A, %dma_start3A_65, %dma_start3A_66] : memref<32x4x128xi32, #tpu.memory_space<hbm>> -> memref<1x4x128xi32, #tpu.memory_space<hbm>>
      %dma_start3A_68 = tpu.memref_squeeze %dma_start3A_67 : memref<1x4x128xi32, #tpu.memory_space<hbm>> -> memref<4x128xi32, #tpu.memory_space<hbm>>
      %dma_start3A_69 = arith.constant 0 : i32
      %dma_start3A_70 = arith.constant 0 : i32
      %dma_start3A_71 = tpu.memref_slice %arg3[%add3A, %dma_start3A_69, %dma_start3A_70] : memref<32x4x128xi32, #tpu.memory_space<hbm>> -> memref<1x4x128xi32, #tpu.memory_space<hbm>>
      %dma_start3A_72 = tpu.memref_squeeze %dma_start3A_71 : memref<1x4x128xi32, #tpu.memory_space<hbm>> -> memref<4x128xi32, #tpu.memory_space<hbm>>
      tpu.enqueue_dma source(%dma_start3A_72 : memref<4x128xi32, #tpu.memory_space<hbm>>) target(%arg5 : memref<4x128xi32, #tpu.memory_space<vmem>>) target_semaphore(%run_scoped3A : memref<!tpu.dma_semaphore, #tpu.memory_space<semaphore_mem>>)
      %dma_wait3A_73 = arith.constant 0 : i32
      %dma_wait3A_74 = arith.constant 0 : i32
      %dma_wait3A_75 = tpu.memref_slice %arg3[%add3A, %dma_wait3A_73, %dma_wait3A_74] : memref<32x4x128xi32, #tpu.memory_space<hbm>> -> memref<1x4x128xi32, #tpu.memory_space<hbm>>
      %dma_wait3A_76 = tpu.memref_squeeze %dma_wait3A_75 : memref<1x4x128xi32, #tpu.memory_space<hbm>> -> memref<4x128xi32, #tpu.memory_space<hbm>>
      %dma_wait3A_77 = arith.constant 0 : i32
      %dma_wait3A_78 = arith.constant 0 : i32
      %dma_wait3A_79 = tpu.memref_slice %arg3[%add3A, %dma_wait3A_77, %dma_wait3A_78] : memref<32x4x128xi32, #tpu.memory_space<hbm>> -> memref<1x4x128xi32, #tpu.memory_space<hbm>>
      %dma_wait3A_80 = tpu.memref_squeeze %dma_wait3A_79 : memref<1x4x128xi32, #tpu.memory_space<hbm>> -> memref<4x128xi32, #tpu.memory_space<hbm>>
      tpu.wait_dma2 semaphore(%run_scoped3A : memref<!tpu.dma_semaphore, #tpu.memory_space<semaphore_mem>>) src(%dma_wait3A_80 : memref<4x128xi32, #tpu.memory_space<hbm>>) dst(%arg5 : memref<4x128xi32, #tpu.memory_space<vmem>>)
      tpu.yield
    }) : () -> ()
    %dma_start3A = arith.constant 0 : i32
    %dma_start3A_3 = arith.constant 0 : i32
    %dma_start3A_4 = tpu.memref_slice %arg5[%dma_start3A, %dma_start3A_3] : memref<4x128xi32, #tpu.memory_space<vmem>> -> memref<1x128xi32, #tpu.memory_space<vmem>>
    %dma_start3A_5 = tpu.memref_squeeze %dma_start3A_4 : memref<1x128xi32, #tpu.memory_space<vmem>> -> memref<128xi32, #tpu.memory_space<vmem>>
    %dma_start3A_6 = arith.constant 0 : i32
    %dma_start3A_7 = arith.constant 0 : i32
    %dma_start3A_8 = tpu.memref_slice %arg2[%dma_start3A_6, %dma_start3A_7] : memref<8192x256xf32, #tpu.memory_space<hbm>> -> memref<8192x256xf32, #tpu.memory_space<hbm>>
    tpu.enqueue_indirect_dma source(%dma_start3A_8 : memref<8192x256xf32, #tpu.memory_space<hbm>>) target(%arg6 : memref<128x256xf32, #tpu.memory_space<vmem>>) offsets(%dma_start3A_5 : memref<128xi32, #tpu.memory_space<vmem>>) semaphore(%arg8 : memref<!tpu.dma_semaphore, #tpu.memory_space<semaphore_mem>>)
    %dma_start3A_9 = arith.constant 1 : i32
    %dma_start3A_10 = arith.constant 0 : i32
    %dma_start3A_11 = tpu.memref_slice %arg5[%dma_start3A_9, %dma_start3A_10] : memref<4x128xi32, #tpu.memory_space<vmem>> -> memref<1x128xi32, #tpu.memory_space<vmem>>
    %dma_start3A_12 = tpu.memref_squeeze %dma_start3A_11 : memref<1x128xi32, #tpu.memory_space<vmem>> -> memref<128xi32, #tpu.memory_space<vmem>>
    %dma_start3A_13 = arith.constant 0 : i32
    %dma_start3A_14 = arith.constant 0 : i32
    %dma_start3A_15 = tpu.memref_slice %arg2[%dma_start3A_13, %dma_start3A_14] : memref<8192x256xf32, #tpu.memory_space<hbm>> -> memref<8192x256xf32, #tpu.memory_space<hbm>>
    tpu.enqueue_indirect_dma source(%dma_start3A_15 : memref<8192x256xf32, #tpu.memory_space<hbm>>) target(%arg7 : memref<128x256xf32, #tpu.memory_space<vmem>>) offsets(%dma_start3A_12 : memref<128xi32, #tpu.memory_space<vmem>>) semaphore(%arg9 : memref<!tpu.dma_semaphore, #tpu.memory_space<semaphore_mem>>)
    %dma_wait3A = arith.constant 0 : i32
    %dma_wait3A_16 = arith.constant 0 : i32
    %dma_wait3A_17 = tpu.memref_slice %arg5[%dma_wait3A, %dma_wait3A_16] : memref<4x128xi32, #tpu.memory_space<vmem>> -> memref<1x128xi32, #tpu.memory_space<vmem>>
    %dma_wait3A_18 = tpu.memref_squeeze %dma_wait3A_17 : memref<1x128xi32, #tpu.memory_space<vmem>> -> memref<128xi32, #tpu.memory_space<vmem>>
    %dma_wait3A_19 = arith.constant 0 : i32
    %dma_wait3A_20 = arith.constant 0 : i32
    %dma_wait3A_21 = tpu.memref_slice %arg2[%dma_wait3A_19, %dma_wait3A_20] : memref<8192x256xf32, #tpu.memory_space<hbm>> -> memref<8192x256xf32, #tpu.memory_space<hbm>>
    tpu.wait_indirect_dma semaphore(%arg8 : memref<!tpu.dma_semaphore, #tpu.memory_space<semaphore_mem>>) src(%dma_wait3A_21 : memref<8192x256xf32, #tpu.memory_space<hbm>>) dst(%arg6 : memref<128x256xf32, #tpu.memory_space<vmem>>)
    %add3A_22 = arith.constant 0 : i32
    %add3A_23 = arith.addi %mul3A_2, %add3A_22 : i32
    "tpu.region"() ({
      %run_scoped3A = tpu.sem_alloc : memref<!tpu.dma_semaphore, #tpu.memory_space<semaphore_mem>>
      %dma_start3A_65 = arith.constant 0 : i32
      %dma_start3A_66 = tpu.memref_slice %arg4[%add3A_23, %dma_start3A_65] : memref<16384x256xf32, #tpu.memory_space<hbm>> -> memref<128x256xf32, #tpu.memory_space<hbm>>
      %dma_start3A_67 = arith.constant 0 : i32
      %dma_start3A_68 = tpu.memref_slice %arg4[%add3A_23, %dma_start3A_67] : memref<16384x256xf32, #tpu.memory_space<hbm>> -> memref<128x256xf32, #tpu.memory_space<hbm>>
      tpu.enqueue_dma source(%arg6 : memref<128x256xf32, #tpu.memory_space<vmem>>) target(%dma_start3A_68 : memref<128x256xf32, #tpu.memory_space<hbm>>) target_semaphore(%run_scoped3A : memref<!tpu.dma_semaphore, #tpu.memory_space<semaphore_mem>>)
      %dma_wait3A_69 = arith.constant 0 : i32
      %dma_wait3A_70 = tpu.memref_slice %arg4[%add3A_23, %dma_wait3A_69] : memref<16384x256xf32, #tpu.memory_space<hbm>> -> memref<128x256xf32, #tpu.memory_space<hbm>>
      %dma_wait3A_71 = arith.constant 0 : i32
      %dma_wait3A_72 = tpu.memref_slice %arg4[%add3A_23, %dma_wait3A_71] : memref<16384x256xf32, #tpu.memory_space<hbm>> -> memref<128x256xf32, #tpu.memory_space<hbm>>
      tpu.wait_dma2 semaphore(%run_scoped3A : memref<!tpu.dma_semaphore, #tpu.memory_space<semaphore_mem>>) src(%arg6 : memref<128x256xf32, #tpu.memory_space<vmem>>) dst(%dma_wait3A_72 : memref<128x256xf32, #tpu.memory_space<hbm>>)
      tpu.yield
    }) : () -> ()
    %dma_start3A_24 = arith.constant 2 : i32
    %dma_start3A_25 = arith.constant 0 : i32
    %dma_start3A_26 = tpu.memref_slice %arg5[%dma_start3A_24, %dma_start3A_25] : memref<4x128xi32, #tpu.memory_space<vmem>> -> memref<1x128xi32, #tpu.memory_space<vmem>>
    %dma_start3A_27 = tpu.memref_squeeze %dma_start3A_26 : memref<1x128xi32, #tpu.memory_space<vmem>> -> memref<128xi32, #tpu.memory_space<vmem>>
    %dma_start3A_28 = arith.constant 0 : i32
    %dma_start3A_29 = arith.constant 0 : i32
    %dma_start3A_30 = tpu.memref_slice %arg2[%dma_start3A_28, %dma_start3A_29] : memref<8192x256xf32, #tpu.memory_space<hbm>> -> memref<8192x256xf32, #tpu.memory_space<hbm>>
    tpu.enqueue_indirect_dma source(%dma_start3A_30 : memref<8192x256xf32, #tpu.memory_space<hbm>>) target(%arg6 : memref<128x256xf32, #tpu.memory_space<vmem>>) offsets(%dma_start3A_27 : memref<128xi32, #tpu.memory_space<vmem>>) semaphore(%arg8 : memref<!tpu.dma_semaphore, #tpu.memory_space<semaphore_mem>>)
    %dma_wait3A_31 = arith.constant 1 : i32
    %dma_wait3A_32 = arith.constant 0 : i32
    %dma_wait3A_33 = tpu.memref_slice %arg5[%dma_wait3A_31, %dma_wait3A_32] : memref<4x128xi32, #tpu.memory_space<vmem>> -> memref<1x128xi32, #tpu.memory_space<vmem>>
    %dma_wait3A_34 = tpu.memref_squeeze %dma_wait3A_33 : memref<1x128xi32, #tpu.memory_space<vmem>> -> memref<128xi32, #tpu.memory_space<vmem>>
    %dma_wait3A_35 = arith.constant 0 : i32
    %dma_wait3A_36 = arith.constant 0 : i32
    %dma_wait3A_37 = tpu.memref_slice %arg2[%dma_wait3A_35, %dma_wait3A_36] : memref<8192x256xf32, #tpu.memory_space<hbm>> -> memref<8192x256xf32, #tpu.memory_space<hbm>>
    tpu.wait_indirect_dma semaphore(%arg9 : memref<!tpu.dma_semaphore, #tpu.memory_space<semaphore_mem>>) src(%dma_wait3A_37 : memref<8192x256xf32, #tpu.memory_space<hbm>>) dst(%arg7 : memref<128x256xf32, #tpu.memory_space<vmem>>)
    %add3A_38 = arith.constant 128 : i32
    %add3A_39 = arith.addi %mul3A_2, %add3A_38 : i32
    "tpu.region"() ({
      %run_scoped3A = tpu.sem_alloc : memref<!tpu.dma_semaphore, #tpu.memory_space<semaphore_mem>>
      %dma_start3A_65 = arith.constant 0 : i32
      %dma_start3A_66 = tpu.memref_slice %arg4[%add3A_39, %dma_start3A_65] : memref<16384x256xf32, #tpu.memory_space<hbm>> -> memref<128x256xf32, #tpu.memory_space<hbm>>
      %dma_start3A_67 = arith.constant 0 : i32
      %dma_start3A_68 = tpu.memref_slice %arg4[%add3A_39, %dma_start3A_67] : memref<16384x256xf32, #tpu.memory_space<hbm>> -> memref<128x256xf32, #tpu.memory_space<hbm>>
      tpu.enqueue_dma source(%arg7 : memref<128x256xf32, #tpu.memory_space<vmem>>) target(%dma_start3A_68 : memref<128x256xf32, #tpu.memory_space<hbm>>) target_semaphore(%run_scoped3A : memref<!tpu.dma_semaphore, #tpu.memory_space<semaphore_mem>>)
      %dma_wait3A_69 = arith.constant 0 : i32
      %dma_wait3A_70 = tpu.memref_slice %arg4[%add3A_39, %dma_wait3A_69] : memref<16384x256xf32, #tpu.memory_space<hbm>> -> memref<128x256xf32, #tpu.memory_space<hbm>>
      %dma_wait3A_71 = arith.constant 0 : i32
      %dma_wait3A_72 = tpu.memref_slice %arg4[%add3A_39, %dma_wait3A_71] : memref<16384x256xf32, #tpu.memory_space<hbm>> -> memref<128x256xf32, #tpu.memory_space<hbm>>
      tpu.wait_dma2 semaphore(%run_scoped3A : memref<!tpu.dma_semaphore, #tpu.memory_space<semaphore_mem>>) src(%arg7 : memref<128x256xf32, #tpu.memory_space<vmem>>) dst(%dma_wait3A_72 : memref<128x256xf32, #tpu.memory_space<hbm>>)
      tpu.yield
    }) : () -> ()
    %dma_start3A_40 = arith.constant 3 : i32
    %dma_start3A_41 = arith.constant 0 : i32
    %dma_start3A_42 = tpu.memref_slice %arg5[%dma_start3A_40, %dma_start3A_41] : memref<4x128xi32, #tpu.memory_space<vmem>> -> memref<1x128xi32, #tpu.memory_space<vmem>>
    %dma_start3A_43 = tpu.memref_squeeze %dma_start3A_42 : memref<1x128xi32, #tpu.memory_space<vmem>> -> memref<128xi32, #tpu.memory_space<vmem>>
    %dma_start3A_44 = arith.constant 0 : i32
    %dma_start3A_45 = arith.constant 0 : i32
    %dma_start3A_46 = tpu.memref_slice %arg2[%dma_start3A_44, %dma_start3A_45] : memref<8192x256xf32, #tpu.memory_space<hbm>> -> memref<8192x256xf32, #tpu.memory_space<hbm>>
    tpu.enqueue_indirect_dma source(%dma_start3A_46 : memref<8192x256xf32, #tpu.memory_space<hbm>>) target(%arg7 : memref<128x256xf32, #tpu.memory_space<vmem>>) offsets(%dma_start3A_43 : memref<128xi32, #tpu.memory_space<vmem>>) semaphore(%arg9 : memref<!tpu.dma_semaphore, #tpu.memory_space<semaphore_mem>>)
    %dma_wait3A_47 = arith.constant 2 : i32
    %dma_wait3A_48 = arith.constant 0 : i32
    %dma_wait3A_49 = tpu.memref_slice %arg5[%dma_wait3A_47, %dma_wait3A_48] : memref<4x128xi32, #tpu.memory_space<vmem>> -> memref<1x128xi32, #tpu.memory_space<vmem>>
    %dma_wait3A_50 = tpu.memref_squeeze %dma_wait3A_49 : memref<1x128xi32, #tpu.memory_space<vmem>> -> memref<128xi32, #tpu.memory_space<vmem>>
    %dma_wait3A_51 = arith.constant 0 : i32
    %dma_wait3A_52 = arith.constant 0 : i32
    %dma_wait3A_53 = tpu.memref_slice %arg2[%dma_wait3A_51, %dma_wait3A_52] : memref<8192x256xf32, #tpu.memory_space<hbm>> -> memref<8192x256xf32, #tpu.memory_space<hbm>>
    tpu.wait_indirect_dma semaphore(%arg8 : memref<!tpu.dma_semaphore, #tpu.memory_space<semaphore_mem>>) src(%dma_wait3A_53 : memref<8192x256xf32, #tpu.memory_space<hbm>>) dst(%arg6 : memref<128x256xf32, #tpu.memory_space<vmem>>)
    %add3A_54 = arith.constant 256 : i32
    %add3A_55 = arith.addi %mul3A_2, %add3A_54 : i32
    "tpu.region"() ({
      %run_scoped3A = tpu.sem_alloc : memref<!tpu.dma_semaphore, #tpu.memory_space<semaphore_mem>>
      %dma_start3A_65 = arith.constant 0 : i32
      %dma_start3A_66 = tpu.memref_slice %arg4[%add3A_55, %dma_start3A_65] : memref<16384x256xf32, #tpu.memory_space<hbm>> -> memref<128x256xf32, #tpu.memory_space<hbm>>
      %dma_start3A_67 = arith.constant 0 : i32
      %dma_start3A_68 = tpu.memref_slice %arg4[%add3A_55, %dma_start3A_67] : memref<16384x256xf32, #tpu.memory_space<hbm>> -> memref<128x256xf32, #tpu.memory_space<hbm>>
      tpu.enqueue_dma source(%arg6 : memref<128x256xf32, #tpu.memory_space<vmem>>) target(%dma_start3A_68 : memref<128x256xf32, #tpu.memory_space<hbm>>) target_semaphore(%run_scoped3A : memref<!tpu.dma_semaphore, #tpu.memory_space<semaphore_mem>>)
      %dma_wait3A_69 = arith.constant 0 : i32
      %dma_wait3A_70 = tpu.memref_slice %arg4[%add3A_55, %dma_wait3A_69] : memref<16384x256xf32, #tpu.memory_space<hbm>> -> memref<128x256xf32, #tpu.memory_space<hbm>>
      %dma_wait3A_71 = arith.constant 0 : i32
      %dma_wait3A_72 = tpu.memref_slice %arg4[%add3A_55, %dma_wait3A_71] : memref<16384x256xf32, #tpu.memory_space<hbm>> -> memref<128x256xf32, #tpu.memory_space<hbm>>
      tpu.wait_dma2 semaphore(%run_scoped3A : memref<!tpu.dma_semaphore, #tpu.memory_space<semaphore_mem>>) src(%arg6 : memref<128x256xf32, #tpu.memory_space<vmem>>) dst(%dma_wait3A_72 : memref<128x256xf32, #tpu.memory_space<hbm>>)
      tpu.yield
    }) : () -> ()
    %dma_wait3A_56 = arith.constant 3 : i32
    %dma_wait3A_57 = arith.constant 0 : i32
    %dma_wait3A_58 = tpu.memref_slice %arg5[%dma_wait3A_56, %dma_wait3A_57] : memref<4x128xi32, #tpu.memory_space<vmem>> -> memref<1x128xi32, #tpu.memory_space<vmem>>
    %dma_wait3A_59 = tpu.memref_squeeze %dma_wait3A_58 : memref<1x128xi32, #tpu.memory_space<vmem>> -> memref<128xi32, #tpu.memory_space<vmem>>
    %dma_wait3A_60 = arith.constant 0 : i32
    %dma_wait3A_61 = arith.constant 0 : i32
    %dma_wait3A_62 = tpu.memref_slice %arg2[%dma_wait3A_60, %dma_wait3A_61] : memref<8192x256xf32, #tpu.memory_space<hbm>> -> memref<8192x256xf32, #tpu.memory_space<hbm>>
    tpu.wait_indirect_dma semaphore(%arg9 : memref<!tpu.dma_semaphore, #tpu.memory_space<semaphore_mem>>) src(%dma_wait3A_62 : memref<8192x256xf32, #tpu.memory_space<hbm>>) dst(%arg7 : memref<128x256xf32, #tpu.memory_space<vmem>>)
    %add3A_63 = arith.constant 384 : i32
    %add3A_64 = arith.addi %mul3A_2, %add3A_63 : i32
    "tpu.region"() ({
      %run_scoped3A = tpu.sem_alloc : memref<!tpu.dma_semaphore, #tpu.memory_space<semaphore_mem>>
      %dma_start3A_65 = arith.constant 0 : i32
      %dma_start3A_66 = tpu.memref_slice %arg4[%add3A_64, %dma_start3A_65] : memref<16384x256xf32, #tpu.memory_space<hbm>> -> memref<128x256xf32, #tpu.memory_space<hbm>>
      %dma_start3A_67 = arith.constant 0 : i32
      %dma_start3A_68 = tpu.memref_slice %arg4[%add3A_64, %dma_start3A_67] : memref<16384x256xf32, #tpu.memory_space<hbm>> -> memref<128x256xf32, #tpu.memory_space<hbm>>
      tpu.enqueue_dma source(%arg7 : memref<128x256xf32, #tpu.memory_space<vmem>>) target(%dma_start3A_68 : memref<128x256xf32, #tpu.memory_space<hbm>>) target_semaphore(%run_scoped3A : memref<!tpu.dma_semaphore, #tpu.memory_space<semaphore_mem>>)
      %dma_wait3A_69 = arith.constant 0 : i32
      %dma_wait3A_70 = tpu.memref_slice %arg4[%add3A_64, %dma_wait3A_69] : memref<16384x256xf32, #tpu.memory_space<hbm>> -> memref<128x256xf32, #tpu.memory_space<hbm>>
      %dma_wait3A_71 = arith.constant 0 : i32
      %dma_wait3A_72 = tpu.memref_slice %arg4[%add3A_64, %dma_wait3A_71] : memref<16384x256xf32, #tpu.memory_space<hbm>> -> memref<128x256xf32, #tpu.memory_space<hbm>>
      tpu.wait_dma2 semaphore(%run_scoped3A : memref<!tpu.dma_semaphore, #tpu.memory_space<semaphore_mem>>) src(%arg7 : memref<128x256xf32, #tpu.memory_space<vmem>>) dst(%dma_wait3A_72 : memref<128x256xf32, #tpu.memory_space<hbm>>)
      tpu.yield
    }) : () -> ()
    return
  }
}

module attributes {stable_mosaic.version = 14 : i64} {
  func.func @_argmin_body(%arg0: i32, %arg1: memref<2048x256xf32, #tpu.memory_space<vmem>>, %arg2: memref<2048x1xf32, #tpu.memory_space<vmem>>, %arg3: memref<8192x256xf32, #tpu.memory_space<vmem>>, %arg4: memref<8192xf32, #tpu.memory_space<vmem>>, %arg5: memref<2048xi32, #tpu.memory_space<vmem>>, %arg6: memref<2048xf32, #tpu.memory_space<vmem>>) attributes {dimension_semantics = [#tpu.dimension_semantics<arbitrary>], iteration_bounds = array<i64: 8>, scalar_prefetch = 0 : i64, scratch_operands = 0 : i64, tpu.core_type = #tpu.core_type<tc>, window_params = [{transform_indices = @transform_0, window_bounds = array<i64: 2048, 256>}, {transform_indices = @transform_1, window_bounds = array<i64: 2048, 1>}, {pipeline_mode = #tpu.pipeline_mode<synchronous>, transform_indices = @transform_2, window_bounds = array<i64: 8192, 256>}, {pipeline_mode = #tpu.pipeline_mode<synchronous>, transform_indices = @transform_3, window_bounds = array<i64: 8192>}, {transform_indices = @transform_4, window_bounds = array<i64: 2048>}, {transform_indices = @transform_5, window_bounds = array<i64: 2048>}]} {
    %get3A = arith.constant 0 : index
    %get3A_0 = arith.constant 0 : index
    %get3A_1 = vector.load %arg1[%get3A, %get3A_0] : memref<2048x256xf32, #tpu.memory_space<vmem>>, vector<2048x256xf32>
    %get3A_2 = arith.constant 0 : index
    %get3A_3 = arith.constant 0 : index
    %get3A_4 = vector.load %arg2[%get3A_2, %get3A_3] : memref<2048x1xf32, #tpu.memory_space<vmem>>, vector<2048x1xf32>
    %add3A = arith.addf %get3A_1, %get3A_1 : vector<2048x256xf32>
    %iota3A = tpu.iota {dimensions = array<i32: 1>} : vector<2048x128xi32>
    %convert_element_type3A = arith.sitofp %iota3A : vector<2048x128xi32> to vector<2048x128xf32>
    %broadcast_in_dim3A = arith.constant 0x7F800000 : f32
    %broadcast_in_dim3A_5 = vector.broadcast %broadcast_in_dim3A : f32 to vector<2048x128xf32>
    %broadcast_in_dim3A_6 = arith.constant 0.000000e+00 : f32
    %broadcast_in_dim3A_7 = vector.broadcast %broadcast_in_dim3A_6 : f32 to vector<2048x128xf32>
    %broadcast_in_dim3A_8 = arith.constant 0.000000e+00 : f32
    %broadcast_in_dim3A_9 = vector.broadcast %broadcast_in_dim3A_8 : f32 to vector<2048x128xf32>
    %broadcast_in_dim3A_10 = arith.constant 0.000000e+00 : f32
    %broadcast_in_dim3A_11 = vector.broadcast %broadcast_in_dim3A_10 : f32 to vector<2048x128xf32>
    %get3A_12 = arith.constant 0 : index
    %get3A_13 = arith.constant 0 : index
    %get3A_14 = vector.load %arg3[%get3A_12, %get3A_13] : memref<8192x256xf32, #tpu.memory_space<vmem>>, vector<1024x256xf32>
    %get3A_15 = arith.constant 0 : index
    %get3A_16 = vector.load %arg4[%get3A_15] : memref<8192xf32, #tpu.memory_space<vmem>>, vector<1024xf32>
    %dot_general3A = arith.constant dense<0.000000e+00> : vector<2048x1024xf32>
    %dot_general3A_17 = tpu.matmul %add3A, %get3A_14, %dot_general3A {dimension_numbers = #tpu.dot_dimension_numbers<[1], [1], [0], [0], [0, 0, 1, 0], [], []>, transpose_lhs_hint = false} : vector<2048x256xf32>, vector<1024x256xf32>, vector<2048x1024xf32> -> vector<2048x1024xf32>
    %broadcast_in_dim3A_18 = vector.shape_cast %get3A_16 : vector<1024xf32> to vector<1x1024xf32>
    %add3A_19 = vector.broadcast %get3A_4 : vector<2048x1xf32> to vector<2048x1024xf32>
    %add3A_20 = vector.broadcast %broadcast_in_dim3A_18 : vector<1x1024xf32> to vector<2048x1024xf32>
    %add3A_21 = arith.addf %add3A_19, %add3A_20 : vector<2048x1024xf32>
    %sub3A = arith.subf %add3A_21, %dot_general3A_17 : vector<2048x1024xf32>
    %slice3A = vector.extract_strided_slice %sub3A {offsets = [0, 0], sizes = [2048, 128], strides = [1, 1]} : vector<2048x1024xf32> to vector<2048x128xf32>
    %lt3A = arith.cmpf olt, %slice3A, %broadcast_in_dim3A_5 : vector<2048x128xf32>
    %jit3A = arith.constant 0.000000e+00 : f32
    %broadcast_in_dim3A_22 = vector.broadcast %jit3A : f32 to vector<2048x128xf32>
    %select_n3A = arith.select %lt3A, %broadcast_in_dim3A_22, %broadcast_in_dim3A_7 : vector<2048x128xi1>, vector<2048x128xf32>
    %select_n3A_23 = arith.select %lt3A, %slice3A, %broadcast_in_dim3A_5 : vector<2048x128xi1>, vector<2048x128xf32>
    %slice3A_24 = vector.extract_strided_slice %sub3A {offsets = [0, 128], sizes = [2048, 128], strides = [1, 1]} : vector<2048x1024xf32> to vector<2048x128xf32>
    %lt3A_25 = arith.cmpf olt, %slice3A_24, %select_n3A_23 : vector<2048x128xf32>
    %jit3A_26 = arith.constant 1.000000e+00 : f32
    %broadcast_in_dim3A_27 = vector.broadcast %jit3A_26 : f32 to vector<2048x128xf32>
    %select_n3A_28 = arith.select %lt3A_25, %broadcast_in_dim3A_27, %select_n3A : vector<2048x128xi1>, vector<2048x128xf32>
    %select_n3A_29 = arith.select %lt3A_25, %slice3A_24, %select_n3A_23 : vector<2048x128xi1>, vector<2048x128xf32>
    %slice3A_30 = vector.extract_strided_slice %sub3A {offsets = [0, 256], sizes = [2048, 128], strides = [1, 1]} : vector<2048x1024xf32> to vector<2048x128xf32>
    %lt3A_31 = arith.cmpf olt, %slice3A_30, %select_n3A_29 : vector<2048x128xf32>
    %jit3A_32 = arith.constant 2.000000e+00 : f32
    %broadcast_in_dim3A_33 = vector.broadcast %jit3A_32 : f32 to vector<2048x128xf32>
    %select_n3A_34 = arith.select %lt3A_31, %broadcast_in_dim3A_33, %select_n3A_28 : vector<2048x128xi1>, vector<2048x128xf32>
    %select_n3A_35 = arith.select %lt3A_31, %slice3A_30, %select_n3A_29 : vector<2048x128xi1>, vector<2048x128xf32>
    %slice3A_36 = vector.extract_strided_slice %sub3A {offsets = [0, 384], sizes = [2048, 128], strides = [1, 1]} : vector<2048x1024xf32> to vector<2048x128xf32>
    %lt3A_37 = arith.cmpf olt, %slice3A_36, %select_n3A_35 : vector<2048x128xf32>
    %jit3A_38 = arith.constant 3.000000e+00 : f32
    %broadcast_in_dim3A_39 = vector.broadcast %jit3A_38 : f32 to vector<2048x128xf32>
    %select_n3A_40 = arith.select %lt3A_37, %broadcast_in_dim3A_39, %select_n3A_34 : vector<2048x128xi1>, vector<2048x128xf32>
    %select_n3A_41 = arith.select %lt3A_37, %slice3A_36, %select_n3A_35 : vector<2048x128xi1>, vector<2048x128xf32>
    %slice3A_42 = vector.extract_strided_slice %sub3A {offsets = [0, 512], sizes = [2048, 128], strides = [1, 1]} : vector<2048x1024xf32> to vector<2048x128xf32>
    %lt3A_43 = arith.cmpf olt, %slice3A_42, %select_n3A_41 : vector<2048x128xf32>
    %jit3A_44 = arith.constant 4.000000e+00 : f32
    %broadcast_in_dim3A_45 = vector.broadcast %jit3A_44 : f32 to vector<2048x128xf32>
    %select_n3A_46 = arith.select %lt3A_43, %broadcast_in_dim3A_45, %select_n3A_40 : vector<2048x128xi1>, vector<2048x128xf32>
    %select_n3A_47 = arith.select %lt3A_43, %slice3A_42, %select_n3A_41 : vector<2048x128xi1>, vector<2048x128xf32>
    %slice3A_48 = vector.extract_strided_slice %sub3A {offsets = [0, 640], sizes = [2048, 128], strides = [1, 1]} : vector<2048x1024xf32> to vector<2048x128xf32>
    %lt3A_49 = arith.cmpf olt, %slice3A_48, %select_n3A_47 : vector<2048x128xf32>
    %jit3A_50 = arith.constant 5.000000e+00 : f32
    %broadcast_in_dim3A_51 = vector.broadcast %jit3A_50 : f32 to vector<2048x128xf32>
    %select_n3A_52 = arith.select %lt3A_49, %broadcast_in_dim3A_51, %select_n3A_46 : vector<2048x128xi1>, vector<2048x128xf32>
    %select_n3A_53 = arith.select %lt3A_49, %slice3A_48, %select_n3A_47 : vector<2048x128xi1>, vector<2048x128xf32>
    %slice3A_54 = vector.extract_strided_slice %sub3A {offsets = [0, 768], sizes = [2048, 128], strides = [1, 1]} : vector<2048x1024xf32> to vector<2048x128xf32>
    %lt3A_55 = arith.cmpf olt, %slice3A_54, %select_n3A_53 : vector<2048x128xf32>
    %jit3A_56 = arith.constant 6.000000e+00 : f32
    %broadcast_in_dim3A_57 = vector.broadcast %jit3A_56 : f32 to vector<2048x128xf32>
    %select_n3A_58 = arith.select %lt3A_55, %broadcast_in_dim3A_57, %select_n3A_52 : vector<2048x128xi1>, vector<2048x128xf32>
    %select_n3A_59 = arith.select %lt3A_55, %slice3A_54, %select_n3A_53 : vector<2048x128xi1>, vector<2048x128xf32>
    %slice3A_60 = vector.extract_strided_slice %sub3A {offsets = [0, 896], sizes = [2048, 128], strides = [1, 1]} : vector<2048x1024xf32> to vector<2048x128xf32>
    %lt3A_61 = arith.cmpf olt, %slice3A_60, %select_n3A_59 : vector<2048x128xf32>
    %jit3A_62 = arith.constant 7.000000e+00 : f32
    %broadcast_in_dim3A_63 = vector.broadcast %jit3A_62 : f32 to vector<2048x128xf32>
    %select_n3A_64 = arith.select %lt3A_61, %broadcast_in_dim3A_63, %select_n3A_58 : vector<2048x128xi1>, vector<2048x128xf32>
    %select_n3A_65 = arith.select %lt3A_61, %slice3A_60, %select_n3A_59 : vector<2048x128xi1>, vector<2048x128xf32>
    %get3A_66 = arith.constant 1024 : index
    %get3A_67 = arith.constant 0 : index
    %get3A_68 = vector.load %arg3[%get3A_66, %get3A_67] : memref<8192x256xf32, #tpu.memory_space<vmem>>, vector<1024x256xf32>
    %get3A_69 = arith.constant 1024 : index
    %get3A_70 = vector.load %arg4[%get3A_69] : memref<8192xf32, #tpu.memory_space<vmem>>, vector<1024xf32>
    %dot_general3A_71 = arith.constant dense<0.000000e+00> : vector<2048x1024xf32>
    %dot_general3A_72 = tpu.matmul %add3A, %get3A_68, %dot_general3A_71 {dimension_numbers = #tpu.dot_dimension_numbers<[1], [1], [0], [0], [0, 0, 1, 0], [], []>, transpose_lhs_hint = false} : vector<2048x256xf32>, vector<1024x256xf32>, vector<2048x1024xf32> -> vector<2048x1024xf32>
    %broadcast_in_dim3A_73 = vector.shape_cast %get3A_70 : vector<1024xf32> to vector<1x1024xf32>
    %add3A_74 = vector.broadcast %get3A_4 : vector<2048x1xf32> to vector<2048x1024xf32>
    %add3A_75 = vector.broadcast %broadcast_in_dim3A_73 : vector<1x1024xf32> to vector<2048x1024xf32>
    %add3A_76 = arith.addf %add3A_74, %add3A_75 : vector<2048x1024xf32>
    %sub3A_77 = arith.subf %add3A_76, %dot_general3A_72 : vector<2048x1024xf32>
    %slice3A_78 = vector.extract_strided_slice %sub3A_77 {offsets = [0, 0], sizes = [2048, 128], strides = [1, 1]} : vector<2048x1024xf32> to vector<2048x128xf32>
    %lt3A_79 = arith.cmpf olt, %slice3A_78, %select_n3A_65 : vector<2048x128xf32>
    %jit3A_80 = arith.constant 8.000000e+00 : f32
    %broadcast_in_dim3A_81 = vector.broadcast %jit3A_80 : f32 to vector<2048x128xf32>
    %select_n3A_82 = arith.select %lt3A_79, %broadcast_in_dim3A_81, %select_n3A_64 : vector<2048x128xi1>, vector<2048x128xf32>
    %select_n3A_83 = arith.select %lt3A_79, %slice3A_78, %select_n3A_65 : vector<2048x128xi1>, vector<2048x128xf32>
    %slice3A_84 = vector.extract_strided_slice %sub3A_77 {offsets = [0, 128], sizes = [2048, 128], strides = [1, 1]} : vector<2048x1024xf32> to vector<2048x128xf32>
    %lt3A_85 = arith.cmpf olt, %slice3A_84, %select_n3A_83 : vector<2048x128xf32>
    %jit3A_86 = arith.constant 9.000000e+00 : f32
    %broadcast_in_dim3A_87 = vector.broadcast %jit3A_86 : f32 to vector<2048x128xf32>
    %select_n3A_88 = arith.select %lt3A_85, %broadcast_in_dim3A_87, %select_n3A_82 : vector<2048x128xi1>, vector<2048x128xf32>
    %select_n3A_89 = arith.select %lt3A_85, %slice3A_84, %select_n3A_83 : vector<2048x128xi1>, vector<2048x128xf32>
    %slice3A_90 = vector.extract_strided_slice %sub3A_77 {offsets = [0, 256], sizes = [2048, 128], strides = [1, 1]} : vector<2048x1024xf32> to vector<2048x128xf32>
    %lt3A_91 = arith.cmpf olt, %slice3A_90, %select_n3A_89 : vector<2048x128xf32>
    %jit3A_92 = arith.constant 1.000000e+01 : f32
    %broadcast_in_dim3A_93 = vector.broadcast %jit3A_92 : f32 to vector<2048x128xf32>
    %select_n3A_94 = arith.select %lt3A_91, %broadcast_in_dim3A_93, %select_n3A_88 : vector<2048x128xi1>, vector<2048x128xf32>
    %select_n3A_95 = arith.select %lt3A_91, %slice3A_90, %select_n3A_89 : vector<2048x128xi1>, vector<2048x128xf32>
    %slice3A_96 = vector.extract_strided_slice %sub3A_77 {offsets = [0, 384], sizes = [2048, 128], strides = [1, 1]} : vector<2048x1024xf32> to vector<2048x128xf32>
    %lt3A_97 = arith.cmpf olt, %slice3A_96, %select_n3A_95 : vector<2048x128xf32>
    %jit3A_98 = arith.constant 1.100000e+01 : f32
    %broadcast_in_dim3A_99 = vector.broadcast %jit3A_98 : f32 to vector<2048x128xf32>
    %select_n3A_100 = arith.select %lt3A_97, %broadcast_in_dim3A_99, %select_n3A_94 : vector<2048x128xi1>, vector<2048x128xf32>
    %select_n3A_101 = arith.select %lt3A_97, %slice3A_96, %select_n3A_95 : vector<2048x128xi1>, vector<2048x128xf32>
    %slice3A_102 = vector.extract_strided_slice %sub3A_77 {offsets = [0, 512], sizes = [2048, 128], strides = [1, 1]} : vector<2048x1024xf32> to vector<2048x128xf32>
    %lt3A_103 = arith.cmpf olt, %slice3A_102, %select_n3A_101 : vector<2048x128xf32>
    %jit3A_104 = arith.constant 1.200000e+01 : f32
    %broadcast_in_dim3A_105 = vector.broadcast %jit3A_104 : f32 to vector<2048x128xf32>
    %select_n3A_106 = arith.select %lt3A_103, %broadcast_in_dim3A_105, %select_n3A_100 : vector<2048x128xi1>, vector<2048x128xf32>
    %select_n3A_107 = arith.select %lt3A_103, %slice3A_102, %select_n3A_101 : vector<2048x128xi1>, vector<2048x128xf32>
    %slice3A_108 = vector.extract_strided_slice %sub3A_77 {offsets = [0, 640], sizes = [2048, 128], strides = [1, 1]} : vector<2048x1024xf32> to vector<2048x128xf32>
    %lt3A_109 = arith.cmpf olt, %slice3A_108, %select_n3A_107 : vector<2048x128xf32>
    %jit3A_110 = arith.constant 1.300000e+01 : f32
    %broadcast_in_dim3A_111 = vector.broadcast %jit3A_110 : f32 to vector<2048x128xf32>
    %select_n3A_112 = arith.select %lt3A_109, %broadcast_in_dim3A_111, %select_n3A_106 : vector<2048x128xi1>, vector<2048x128xf32>
    %select_n3A_113 = arith.select %lt3A_109, %slice3A_108, %select_n3A_107 : vector<2048x128xi1>, vector<2048x128xf32>
    %slice3A_114 = vector.extract_strided_slice %sub3A_77 {offsets = [0, 768], sizes = [2048, 128], strides = [1, 1]} : vector<2048x1024xf32> to vector<2048x128xf32>
    %lt3A_115 = arith.cmpf olt, %slice3A_114, %select_n3A_113 : vector<2048x128xf32>
    %jit3A_116 = arith.constant 1.400000e+01 : f32
    %broadcast_in_dim3A_117 = vector.broadcast %jit3A_116 : f32 to vector<2048x128xf32>
    %select_n3A_118 = arith.select %lt3A_115, %broadcast_in_dim3A_117, %select_n3A_112 : vector<2048x128xi1>, vector<2048x128xf32>
    %select_n3A_119 = arith.select %lt3A_115, %slice3A_114, %select_n3A_113 : vector<2048x128xi1>, vector<2048x128xf32>
    %slice3A_120 = vector.extract_strided_slice %sub3A_77 {offsets = [0, 896], sizes = [2048, 128], strides = [1, 1]} : vector<2048x1024xf32> to vector<2048x128xf32>
    %lt3A_121 = arith.cmpf olt, %slice3A_120, %select_n3A_119 : vector<2048x128xf32>
    %jit3A_122 = arith.constant 1.500000e+01 : f32
    %broadcast_in_dim3A_123 = vector.broadcast %jit3A_122 : f32 to vector<2048x128xf32>
    %select_n3A_124 = arith.select %lt3A_121, %broadcast_in_dim3A_123, %select_n3A_118 : vector<2048x128xi1>, vector<2048x128xf32>
    %select_n3A_125 = arith.select %lt3A_121, %slice3A_120, %select_n3A_119 : vector<2048x128xi1>, vector<2048x128xf32>
    %get3A_126 = arith.constant 2048 : index
    %get3A_127 = arith.constant 0 : index
    %get3A_128 = vector.load %arg3[%get3A_126, %get3A_127] : memref<8192x256xf32, #tpu.memory_space<vmem>>, vector<1024x256xf32>
    %get3A_129 = arith.constant 2048 : index
    %get3A_130 = vector.load %arg4[%get3A_129] : memref<8192xf32, #tpu.memory_space<vmem>>, vector<1024xf32>
    %dot_general3A_131 = arith.constant dense<0.000000e+00> : vector<2048x1024xf32>
    %dot_general3A_132 = tpu.matmul %add3A, %get3A_128, %dot_general3A_131 {dimension_numbers = #tpu.dot_dimension_numbers<[1], [1], [0], [0], [0, 0, 1, 0], [], []>, transpose_lhs_hint = false} : vector<2048x256xf32>, vector<1024x256xf32>, vector<2048x1024xf32> -> vector<2048x1024xf32>
    %broadcast_in_dim3A_133 = vector.shape_cast %get3A_130 : vector<1024xf32> to vector<1x1024xf32>
    %add3A_134 = vector.broadcast %get3A_4 : vector<2048x1xf32> to vector<2048x1024xf32>
    %add3A_135 = vector.broadcast %broadcast_in_dim3A_133 : vector<1x1024xf32> to vector<2048x1024xf32>
    %add3A_136 = arith.addf %add3A_134, %add3A_135 : vector<2048x1024xf32>
    %sub3A_137 = arith.subf %add3A_136, %dot_general3A_132 : vector<2048x1024xf32>
    %slice3A_138 = vector.extract_strided_slice %sub3A_137 {offsets = [0, 0], sizes = [2048, 128], strides = [1, 1]} : vector<2048x1024xf32> to vector<2048x128xf32>
    %lt3A_139 = arith.cmpf olt, %slice3A_138, %select_n3A_125 : vector<2048x128xf32>
    %jit3A_140 = arith.constant 1.600000e+01 : f32
    %broadcast_in_dim3A_141 = vector.broadcast %jit3A_140 : f32 to vector<2048x128xf32>
    %select_n3A_142 = arith.select %lt3A_139, %broadcast_in_dim3A_141, %select_n3A_124 : vector<2048x128xi1>, vector<2048x128xf32>
    %select_n3A_143 = arith.select %lt3A_139, %slice3A_138, %select_n3A_125 : vector<2048x128xi1>, vector<2048x128xf32>
    %slice3A_144 = vector.extract_strided_slice %sub3A_137 {offsets = [0, 128], sizes = [2048, 128], strides = [1, 1]} : vector<2048x1024xf32> to vector<2048x128xf32>
    %lt3A_145 = arith.cmpf olt, %slice3A_144, %select_n3A_143 : vector<2048x128xf32>
    %jit3A_146 = arith.constant 1.700000e+01 : f32
    %broadcast_in_dim3A_147 = vector.broadcast %jit3A_146 : f32 to vector<2048x128xf32>
    %select_n3A_148 = arith.select %lt3A_145, %broadcast_in_dim3A_147, %select_n3A_142 : vector<2048x128xi1>, vector<2048x128xf32>
    %select_n3A_149 = arith.select %lt3A_145, %slice3A_144, %select_n3A_143 : vector<2048x128xi1>, vector<2048x128xf32>
    %slice3A_150 = vector.extract_strided_slice %sub3A_137 {offsets = [0, 256], sizes = [2048, 128], strides = [1, 1]} : vector<2048x1024xf32> to vector<2048x128xf32>
    %lt3A_151 = arith.cmpf olt, %slice3A_150, %select_n3A_149 : vector<2048x128xf32>
    %jit3A_152 = arith.constant 1.800000e+01 : f32
    %broadcast_in_dim3A_153 = vector.broadcast %jit3A_152 : f32 to vector<2048x128xf32>
    %select_n3A_154 = arith.select %lt3A_151, %broadcast_in_dim3A_153, %select_n3A_148 : vector<2048x128xi1>, vector<2048x128xf32>
    %select_n3A_155 = arith.select %lt3A_151, %slice3A_150, %select_n3A_149 : vector<2048x128xi1>, vector<2048x128xf32>
    %slice3A_156 = vector.extract_strided_slice %sub3A_137 {offsets = [0, 384], sizes = [2048, 128], strides = [1, 1]} : vector<2048x1024xf32> to vector<2048x128xf32>
    %lt3A_157 = arith.cmpf olt, %slice3A_156, %select_n3A_155 : vector<2048x128xf32>
    %jit3A_158 = arith.constant 1.900000e+01 : f32
    %broadcast_in_dim3A_159 = vector.broadcast %jit3A_158 : f32 to vector<2048x128xf32>
    %select_n3A_160 = arith.select %lt3A_157, %broadcast_in_dim3A_159, %select_n3A_154 : vector<2048x128xi1>, vector<2048x128xf32>
    %select_n3A_161 = arith.select %lt3A_157, %slice3A_156, %select_n3A_155 : vector<2048x128xi1>, vector<2048x128xf32>
    %slice3A_162 = vector.extract_strided_slice %sub3A_137 {offsets = [0, 512], sizes = [2048, 128], strides = [1, 1]} : vector<2048x1024xf32> to vector<2048x128xf32>
    %lt3A_163 = arith.cmpf olt, %slice3A_162, %select_n3A_161 : vector<2048x128xf32>
    %jit3A_164 = arith.constant 2.000000e+01 : f32
    %broadcast_in_dim3A_165 = vector.broadcast %jit3A_164 : f32 to vector<2048x128xf32>
    %select_n3A_166 = arith.select %lt3A_163, %broadcast_in_dim3A_165, %select_n3A_160 : vector<2048x128xi1>, vector<2048x128xf32>
    %select_n3A_167 = arith.select %lt3A_163, %slice3A_162, %select_n3A_161 : vector<2048x128xi1>, vector<2048x128xf32>
    %slice3A_168 = vector.extract_strided_slice %sub3A_137 {offsets = [0, 640], sizes = [2048, 128], strides = [1, 1]} : vector<2048x1024xf32> to vector<2048x128xf32>
    %ge3A = arith.constant 0.000000e+00 : f32
    %ge3A_169 = vector.broadcast %ge3A : f32 to vector<2048x128xf32>
    %ge3A_170 = arith.cmpf oge, %convert_element_type3A, %ge3A_169 : vector<2048x128xf32>
    %lt3A_171 = arith.constant 4.800000e+01 : f32
    %lt3A_172 = vector.broadcast %lt3A_171 : f32 to vector<2048x128xf32>
    %lt3A_173 = arith.cmpf olt, %convert_element_type3A, %lt3A_172 : vector<2048x128xf32>
    %and3A = arith.andi %ge3A_170, %lt3A_173 : vector<2048x128xi1>
    %select_n3A_174 = arith.select %and3A, %slice3A_168, %broadcast_in_dim3A_5 : vector<2048x128xi1>, vector<2048x128xf32>
    %lt3A_175 = arith.cmpf olt, %select_n3A_174, %select_n3A_167 : vector<2048x128xf32>
    %jit3A_176 = arith.constant 2.100000e+01 : f32
    %broadcast_in_dim3A_177 = vector.broadcast %jit3A_176 : f32 to vector<2048x128xf32>
    %select_n3A_178 = arith.select %lt3A_175, %broadcast_in_dim3A_177, %select_n3A_166 : vector<2048x128xi1>, vector<2048x128xf32>
    %select_n3A_179 = arith.select %lt3A_175, %select_n3A_174, %select_n3A_167 : vector<2048x128xi1>, vector<2048x128xf32>
    %ge3A_180 = arith.constant 4.800000e+01 : f32
    %ge3A_181 = vector.broadcast %ge3A_180 : f32 to vector<2048x128xf32>
    %ge3A_182 = arith.cmpf oge, %convert_element_type3A, %ge3A_181 : vector<2048x128xf32>
    %lt3A_183 = arith.constant 1.280000e+02 : f32
    %lt3A_184 = vector.broadcast %lt3A_183 : f32 to vector<2048x128xf32>
    %lt3A_185 = arith.cmpf olt, %convert_element_type3A, %lt3A_184 : vector<2048x128xf32>
    %and3A_186 = arith.andi %ge3A_182, %lt3A_185 : vector<2048x128xi1>
    %select_n3A_187 = arith.select %and3A_186, %slice3A_168, %broadcast_in_dim3A_5 : vector<2048x128xi1>, vector<2048x128xf32>
    %lt3A_188 = arith.cmpf olt, %select_n3A_187, %broadcast_in_dim3A_5 : vector<2048x128xf32>
    %jit3A_189 = arith.constant 2.100000e+01 : f32
    %broadcast_in_dim3A_190 = vector.broadcast %jit3A_189 : f32 to vector<2048x128xf32>
    %select_n3A_191 = arith.select %lt3A_188, %broadcast_in_dim3A_190, %broadcast_in_dim3A_9 : vector<2048x128xi1>, vector<2048x128xf32>
    %select_n3A_192 = arith.select %lt3A_188, %select_n3A_187, %broadcast_in_dim3A_5 : vector<2048x128xi1>, vector<2048x128xf32>
    %slice3A_193 = vector.extract_strided_slice %sub3A_137 {offsets = [0, 768], sizes = [2048, 128], strides = [1, 1]} : vector<2048x1024xf32> to vector<2048x128xf32>
    %lt3A_194 = arith.cmpf olt, %slice3A_193, %select_n3A_192 : vector<2048x128xf32>
    %jit3A_195 = arith.constant 2.200000e+01 : f32
    %broadcast_in_dim3A_196 = vector.broadcast %jit3A_195 : f32 to vector<2048x128xf32>
    %select_n3A_197 = arith.select %lt3A_194, %broadcast_in_dim3A_196, %select_n3A_191 : vector<2048x128xi1>, vector<2048x128xf32>
    %select_n3A_198 = arith.select %lt3A_194, %slice3A_193, %select_n3A_192 : vector<2048x128xi1>, vector<2048x128xf32>
    %slice3A_199 = vector.extract_strided_slice %sub3A_137 {offsets = [0, 896], sizes = [2048, 128], strides = [1, 1]} : vector<2048x1024xf32> to vector<2048x128xf32>
    %lt3A_200 = arith.cmpf olt, %slice3A_199, %select_n3A_198 : vector<2048x128xf32>
    %jit3A_201 = arith.constant 2.300000e+01 : f32
    %broadcast_in_dim3A_202 = vector.broadcast %jit3A_201 : f32 to vector<2048x128xf32>
    %select_n3A_203 = arith.select %lt3A_200, %broadcast_in_dim3A_202, %select_n3A_197 : vector<2048x128xi1>, vector<2048x128xf32>
    %select_n3A_204 = arith.select %lt3A_200, %slice3A_199, %select_n3A_198 : vector<2048x128xi1>, vector<2048x128xf32>
    %get3A_205 = arith.constant 3072 : index
    %get3A_206 = arith.constant 0 : index
    %get3A_207 = vector.load %arg3[%get3A_205, %get3A_206] : memref<8192x256xf32, #tpu.memory_space<vmem>>, vector<1024x256xf32>
    %get3A_208 = arith.constant 3072 : index
    %get3A_209 = vector.load %arg4[%get3A_208] : memref<8192xf32, #tpu.memory_space<vmem>>, vector<1024xf32>
    %dot_general3A_210 = arith.constant dense<0.000000e+00> : vector<2048x1024xf32>
    %dot_general3A_211 = tpu.matmul %add3A, %get3A_207, %dot_general3A_210 {dimension_numbers = #tpu.dot_dimension_numbers<[1], [1], [0], [0], [0, 0, 1, 0], [], []>, transpose_lhs_hint = false} : vector<2048x256xf32>, vector<1024x256xf32>, vector<2048x1024xf32> -> vector<2048x1024xf32>
    %broadcast_in_dim3A_212 = vector.shape_cast %get3A_209 : vector<1024xf32> to vector<1x1024xf32>
    %add3A_213 = vector.broadcast %get3A_4 : vector<2048x1xf32> to vector<2048x1024xf32>
    %add3A_214 = vector.broadcast %broadcast_in_dim3A_212 : vector<1x1024xf32> to vector<2048x1024xf32>
    %add3A_215 = arith.addf %add3A_213, %add3A_214 : vector<2048x1024xf32>
    %sub3A_216 = arith.subf %add3A_215, %dot_general3A_211 : vector<2048x1024xf32>
    %slice3A_217 = vector.extract_strided_slice %sub3A_216 {offsets = [0, 0], sizes = [2048, 128], strides = [1, 1]} : vector<2048x1024xf32> to vector<2048x128xf32>
    %lt3A_218 = arith.cmpf olt, %slice3A_217, %select_n3A_204 : vector<2048x128xf32>
    %jit3A_219 = arith.constant 2.400000e+01 : f32
    %broadcast_in_dim3A_220 = vector.broadcast %jit3A_219 : f32 to vector<2048x128xf32>
    %select_n3A_221 = arith.select %lt3A_218, %broadcast_in_dim3A_220, %select_n3A_203 : vector<2048x128xi1>, vector<2048x128xf32>
    %select_n3A_222 = arith.select %lt3A_218, %slice3A_217, %select_n3A_204 : vector<2048x128xi1>, vector<2048x128xf32>
    %slice3A_223 = vector.extract_strided_slice %sub3A_216 {offsets = [0, 128], sizes = [2048, 128], strides = [1, 1]} : vector<2048x1024xf32> to vector<2048x128xf32>
    %lt3A_224 = arith.cmpf olt, %slice3A_223, %select_n3A_222 : vector<2048x128xf32>
    %jit3A_225 = arith.constant 2.500000e+01 : f32
    %broadcast_in_dim3A_226 = vector.broadcast %jit3A_225 : f32 to vector<2048x128xf32>
    %select_n3A_227 = arith.select %lt3A_224, %broadcast_in_dim3A_226, %select_n3A_221 : vector<2048x128xi1>, vector<2048x128xf32>
    %select_n3A_228 = arith.select %lt3A_224, %slice3A_223, %select_n3A_222 : vector<2048x128xi1>, vector<2048x128xf32>
    %slice3A_229 = vector.extract_strided_slice %sub3A_216 {offsets = [0, 256], sizes = [2048, 128], strides = [1, 1]} : vector<2048x1024xf32> to vector<2048x128xf32>
    %lt3A_230 = arith.cmpf olt, %slice3A_229, %select_n3A_228 : vector<2048x128xf32>
    %jit3A_231 = arith.constant 2.600000e+01 : f32
    %broadcast_in_dim3A_232 = vector.broadcast %jit3A_231 : f32 to vector<2048x128xf32>
    %select_n3A_233 = arith.select %lt3A_230, %broadcast_in_dim3A_232, %select_n3A_227 : vector<2048x128xi1>, vector<2048x128xf32>
    %select_n3A_234 = arith.select %lt3A_230, %slice3A_229, %select_n3A_228 : vector<2048x128xi1>, vector<2048x128xf32>
    %slice3A_235 = vector.extract_strided_slice %sub3A_216 {offsets = [0, 384], sizes = [2048, 128], strides = [1, 1]} : vector<2048x1024xf32> to vector<2048x128xf32>
    %lt3A_236 = arith.cmpf olt, %slice3A_235, %select_n3A_234 : vector<2048x128xf32>
    %jit3A_237 = arith.constant 2.700000e+01 : f32
    %broadcast_in_dim3A_238 = vector.broadcast %jit3A_237 : f32 to vector<2048x128xf32>
    %select_n3A_239 = arith.select %lt3A_236, %broadcast_in_dim3A_238, %select_n3A_233 : vector<2048x128xi1>, vector<2048x128xf32>
    %select_n3A_240 = arith.select %lt3A_236, %slice3A_235, %select_n3A_234 : vector<2048x128xi1>, vector<2048x128xf32>
    %slice3A_241 = vector.extract_strided_slice %sub3A_216 {offsets = [0, 512], sizes = [2048, 128], strides = [1, 1]} : vector<2048x1024xf32> to vector<2048x128xf32>
    %lt3A_242 = arith.cmpf olt, %slice3A_241, %select_n3A_240 : vector<2048x128xf32>
    %jit3A_243 = arith.constant 2.800000e+01 : f32
    %broadcast_in_dim3A_244 = vector.broadcast %jit3A_243 : f32 to vector<2048x128xf32>
    %select_n3A_245 = arith.select %lt3A_242, %broadcast_in_dim3A_244, %select_n3A_239 : vector<2048x128xi1>, vector<2048x128xf32>
    %select_n3A_246 = arith.select %lt3A_242, %slice3A_241, %select_n3A_240 : vector<2048x128xi1>, vector<2048x128xf32>
    %slice3A_247 = vector.extract_strided_slice %sub3A_216 {offsets = [0, 640], sizes = [2048, 128], strides = [1, 1]} : vector<2048x1024xf32> to vector<2048x128xf32>
    %lt3A_248 = arith.cmpf olt, %slice3A_247, %select_n3A_246 : vector<2048x128xf32>
    %jit3A_249 = arith.constant 2.900000e+01 : f32
    %broadcast_in_dim3A_250 = vector.broadcast %jit3A_249 : f32 to vector<2048x128xf32>
    %select_n3A_251 = arith.select %lt3A_248, %broadcast_in_dim3A_250, %select_n3A_245 : vector<2048x128xi1>, vector<2048x128xf32>
    %select_n3A_252 = arith.select %lt3A_248, %slice3A_247, %select_n3A_246 : vector<2048x128xi1>, vector<2048x128xf32>
    %slice3A_253 = vector.extract_strided_slice %sub3A_216 {offsets = [0, 768], sizes = [2048, 128], strides = [1, 1]} : vector<2048x1024xf32> to vector<2048x128xf32>
    %lt3A_254 = arith.cmpf olt, %slice3A_253, %select_n3A_252 : vector<2048x128xf32>
    %jit3A_255 = arith.constant 3.000000e+01 : f32
    %broadcast_in_dim3A_256 = vector.broadcast %jit3A_255 : f32 to vector<2048x128xf32>
    %select_n3A_257 = arith.select %lt3A_254, %broadcast_in_dim3A_256, %select_n3A_251 : vector<2048x128xi1>, vector<2048x128xf32>
    %select_n3A_258 = arith.select %lt3A_254, %slice3A_253, %select_n3A_252 : vector<2048x128xi1>, vector<2048x128xf32>
    %slice3A_259 = vector.extract_strided_slice %sub3A_216 {offsets = [0, 896], sizes = [2048, 128], strides = [1, 1]} : vector<2048x1024xf32> to vector<2048x128xf32>
    %lt3A_260 = arith.cmpf olt, %slice3A_259, %select_n3A_258 : vector<2048x128xf32>
    %jit3A_261 = arith.constant 3.100000e+01 : f32
    %broadcast_in_dim3A_262 = vector.broadcast %jit3A_261 : f32 to vector<2048x128xf32>
    %select_n3A_263 = arith.select %lt3A_260, %broadcast_in_dim3A_262, %select_n3A_257 : vector<2048x128xi1>, vector<2048x128xf32>
    %select_n3A_264 = arith.select %lt3A_260, %slice3A_259, %select_n3A_258 : vector<2048x128xi1>, vector<2048x128xf32>
    %get3A_265 = arith.constant 4096 : index
    %get3A_266 = arith.constant 0 : index
    %get3A_267 = vector.load %arg3[%get3A_265, %get3A_266] : memref<8192x256xf32, #tpu.memory_space<vmem>>, vector<1024x256xf32>
    %get3A_268 = arith.constant 4096 : index
    %get3A_269 = vector.load %arg4[%get3A_268] : memref<8192xf32, #tpu.memory_space<vmem>>, vector<1024xf32>
    %dot_general3A_270 = arith.constant dense<0.000000e+00> : vector<2048x1024xf32>
    %dot_general3A_271 = tpu.matmul %add3A, %get3A_267, %dot_general3A_270 {dimension_numbers = #tpu.dot_dimension_numbers<[1], [1], [0], [0], [0, 0, 1, 0], [], []>, transpose_lhs_hint = false} : vector<2048x256xf32>, vector<1024x256xf32>, vector<2048x1024xf32> -> vector<2048x1024xf32>
    %broadcast_in_dim3A_272 = vector.shape_cast %get3A_269 : vector<1024xf32> to vector<1x1024xf32>
    %add3A_273 = vector.broadcast %get3A_4 : vector<2048x1xf32> to vector<2048x1024xf32>
    %add3A_274 = vector.broadcast %broadcast_in_dim3A_272 : vector<1x1024xf32> to vector<2048x1024xf32>
    %add3A_275 = arith.addf %add3A_273, %add3A_274 : vector<2048x1024xf32>
    %sub3A_276 = arith.subf %add3A_275, %dot_general3A_271 : vector<2048x1024xf32>
    %slice3A_277 = vector.extract_strided_slice %sub3A_276 {offsets = [0, 0], sizes = [2048, 128], strides = [1, 1]} : vector<2048x1024xf32> to vector<2048x128xf32>
    %lt3A_278 = arith.cmpf olt, %slice3A_277, %select_n3A_264 : vector<2048x128xf32>
    %jit3A_279 = arith.constant 3.200000e+01 : f32
    %broadcast_in_dim3A_280 = vector.broadcast %jit3A_279 : f32 to vector<2048x128xf32>
    %select_n3A_281 = arith.select %lt3A_278, %broadcast_in_dim3A_280, %select_n3A_263 : vector<2048x128xi1>, vector<2048x128xf32>
    %select_n3A_282 = arith.select %lt3A_278, %slice3A_277, %select_n3A_264 : vector<2048x128xi1>, vector<2048x128xf32>
    %slice3A_283 = vector.extract_strided_slice %sub3A_276 {offsets = [0, 128], sizes = [2048, 128], strides = [1, 1]} : vector<2048x1024xf32> to vector<2048x128xf32>
    %lt3A_284 = arith.cmpf olt, %slice3A_283, %select_n3A_282 : vector<2048x128xf32>
    %jit3A_285 = arith.constant 3.300000e+01 : f32
    %broadcast_in_dim3A_286 = vector.broadcast %jit3A_285 : f32 to vector<2048x128xf32>
    %select_n3A_287 = arith.select %lt3A_284, %broadcast_in_dim3A_286, %select_n3A_281 : vector<2048x128xi1>, vector<2048x128xf32>
    %select_n3A_288 = arith.select %lt3A_284, %slice3A_283, %select_n3A_282 : vector<2048x128xi1>, vector<2048x128xf32>
    %slice3A_289 = vector.extract_strided_slice %sub3A_276 {offsets = [0, 256], sizes = [2048, 128], strides = [1, 1]} : vector<2048x1024xf32> to vector<2048x128xf32>
    %lt3A_290 = arith.cmpf olt, %slice3A_289, %select_n3A_288 : vector<2048x128xf32>
    %jit3A_291 = arith.constant 3.400000e+01 : f32
    %broadcast_in_dim3A_292 = vector.broadcast %jit3A_291 : f32 to vector<2048x128xf32>
    %select_n3A_293 = arith.select %lt3A_290, %broadcast_in_dim3A_292, %select_n3A_287 : vector<2048x128xi1>, vector<2048x128xf32>
    %select_n3A_294 = arith.select %lt3A_290, %slice3A_289, %select_n3A_288 : vector<2048x128xi1>, vector<2048x128xf32>
    %slice3A_295 = vector.extract_strided_slice %sub3A_276 {offsets = [0, 384], sizes = [2048, 128], strides = [1, 1]} : vector<2048x1024xf32> to vector<2048x128xf32>
    %lt3A_296 = arith.cmpf olt, %slice3A_295, %select_n3A_294 : vector<2048x128xf32>
    %jit3A_297 = arith.constant 3.500000e+01 : f32
    %broadcast_in_dim3A_298 = vector.broadcast %jit3A_297 : f32 to vector<2048x128xf32>
    %select_n3A_299 = arith.select %lt3A_296, %broadcast_in_dim3A_298, %select_n3A_293 : vector<2048x128xi1>, vector<2048x128xf32>
    %select_n3A_300 = arith.select %lt3A_296, %slice3A_295, %select_n3A_294 : vector<2048x128xi1>, vector<2048x128xf32>
    %slice3A_301 = vector.extract_strided_slice %sub3A_276 {offsets = [0, 512], sizes = [2048, 128], strides = [1, 1]} : vector<2048x1024xf32> to vector<2048x128xf32>
    %lt3A_302 = arith.cmpf olt, %slice3A_301, %select_n3A_300 : vector<2048x128xf32>
    %jit3A_303 = arith.constant 3.600000e+01 : f32
    %broadcast_in_dim3A_304 = vector.broadcast %jit3A_303 : f32 to vector<2048x128xf32>
    %select_n3A_305 = arith.select %lt3A_302, %broadcast_in_dim3A_304, %select_n3A_299 : vector<2048x128xi1>, vector<2048x128xf32>
    %select_n3A_306 = arith.select %lt3A_302, %slice3A_301, %select_n3A_300 : vector<2048x128xi1>, vector<2048x128xf32>
    %slice3A_307 = vector.extract_strided_slice %sub3A_276 {offsets = [0, 640], sizes = [2048, 128], strides = [1, 1]} : vector<2048x1024xf32> to vector<2048x128xf32>
    %lt3A_308 = arith.cmpf olt, %slice3A_307, %select_n3A_306 : vector<2048x128xf32>
    %jit3A_309 = arith.constant 3.700000e+01 : f32
    %broadcast_in_dim3A_310 = vector.broadcast %jit3A_309 : f32 to vector<2048x128xf32>
    %select_n3A_311 = arith.select %lt3A_308, %broadcast_in_dim3A_310, %select_n3A_305 : vector<2048x128xi1>, vector<2048x128xf32>
    %select_n3A_312 = arith.select %lt3A_308, %slice3A_307, %select_n3A_306 : vector<2048x128xi1>, vector<2048x128xf32>
    %slice3A_313 = vector.extract_strided_slice %sub3A_276 {offsets = [0, 768], sizes = [2048, 128], strides = [1, 1]} : vector<2048x1024xf32> to vector<2048x128xf32>
    %lt3A_314 = arith.cmpf olt, %slice3A_313, %select_n3A_312 : vector<2048x128xf32>
    %jit3A_315 = arith.constant 3.800000e+01 : f32
    %broadcast_in_dim3A_316 = vector.broadcast %jit3A_315 : f32 to vector<2048x128xf32>
    %select_n3A_317 = arith.select %lt3A_314, %broadcast_in_dim3A_316, %select_n3A_311 : vector<2048x128xi1>, vector<2048x128xf32>
    %select_n3A_318 = arith.select %lt3A_314, %slice3A_313, %select_n3A_312 : vector<2048x128xi1>, vector<2048x128xf32>
    %slice3A_319 = vector.extract_strided_slice %sub3A_276 {offsets = [0, 896], sizes = [2048, 128], strides = [1, 1]} : vector<2048x1024xf32> to vector<2048x128xf32>
    %lt3A_320 = arith.cmpf olt, %slice3A_319, %select_n3A_318 : vector<2048x128xf32>
    %jit3A_321 = arith.constant 3.900000e+01 : f32
    %broadcast_in_dim3A_322 = vector.broadcast %jit3A_321 : f32 to vector<2048x128xf32>
    %select_n3A_323 = arith.select %lt3A_320, %broadcast_in_dim3A_322, %select_n3A_317 : vector<2048x128xi1>, vector<2048x128xf32>
    %select_n3A_324 = arith.select %lt3A_320, %slice3A_319, %select_n3A_318 : vector<2048x128xi1>, vector<2048x128xf32>
    %get3A_325 = arith.constant 5120 : index
    %get3A_326 = arith.constant 0 : index
    %get3A_327 = vector.load %arg3[%get3A_325, %get3A_326] : memref<8192x256xf32, #tpu.memory_space<vmem>>, vector<1024x256xf32>
    %get3A_328 = arith.constant 5120 : index
    %get3A_329 = vector.load %arg4[%get3A_328] : memref<8192xf32, #tpu.memory_space<vmem>>, vector<1024xf32>
    %dot_general3A_330 = arith.constant dense<0.000000e+00> : vector<2048x1024xf32>
    %dot_general3A_331 = tpu.matmul %add3A, %get3A_327, %dot_general3A_330 {dimension_numbers = #tpu.dot_dimension_numbers<[1], [1], [0], [0], [0, 0, 1, 0], [], []>, transpose_lhs_hint = false} : vector<2048x256xf32>, vector<1024x256xf32>, vector<2048x1024xf32> -> vector<2048x1024xf32>
    %broadcast_in_dim3A_332 = vector.shape_cast %get3A_329 : vector<1024xf32> to vector<1x1024xf32>
    %add3A_333 = vector.broadcast %get3A_4 : vector<2048x1xf32> to vector<2048x1024xf32>
    %add3A_334 = vector.broadcast %broadcast_in_dim3A_332 : vector<1x1024xf32> to vector<2048x1024xf32>
    %add3A_335 = arith.addf %add3A_333, %add3A_334 : vector<2048x1024xf32>
    %sub3A_336 = arith.subf %add3A_335, %dot_general3A_331 : vector<2048x1024xf32>
    %slice3A_337 = vector.extract_strided_slice %sub3A_336 {offsets = [0, 0], sizes = [2048, 128], strides = [1, 1]} : vector<2048x1024xf32> to vector<2048x128xf32>
    %lt3A_338 = arith.cmpf olt, %slice3A_337, %select_n3A_324 : vector<2048x128xf32>
    %jit3A_339 = arith.constant 4.000000e+01 : f32
    %broadcast_in_dim3A_340 = vector.broadcast %jit3A_339 : f32 to vector<2048x128xf32>
    %select_n3A_341 = arith.select %lt3A_338, %broadcast_in_dim3A_340, %select_n3A_323 : vector<2048x128xi1>, vector<2048x128xf32>
    %select_n3A_342 = arith.select %lt3A_338, %slice3A_337, %select_n3A_324 : vector<2048x128xi1>, vector<2048x128xf32>
    %slice3A_343 = vector.extract_strided_slice %sub3A_336 {offsets = [0, 128], sizes = [2048, 128], strides = [1, 1]} : vector<2048x1024xf32> to vector<2048x128xf32>
    %lt3A_344 = arith.cmpf olt, %slice3A_343, %select_n3A_342 : vector<2048x128xf32>
    %jit3A_345 = arith.constant 4.100000e+01 : f32
    %broadcast_in_dim3A_346 = vector.broadcast %jit3A_345 : f32 to vector<2048x128xf32>
    %select_n3A_347 = arith.select %lt3A_344, %broadcast_in_dim3A_346, %select_n3A_341 : vector<2048x128xi1>, vector<2048x128xf32>
    %select_n3A_348 = arith.select %lt3A_344, %slice3A_343, %select_n3A_342 : vector<2048x128xi1>, vector<2048x128xf32>
    %slice3A_349 = vector.extract_strided_slice %sub3A_336 {offsets = [0, 256], sizes = [2048, 128], strides = [1, 1]} : vector<2048x1024xf32> to vector<2048x128xf32>
    %ge3A_350 = arith.constant 0.000000e+00 : f32
    %ge3A_351 = vector.broadcast %ge3A_350 : f32 to vector<2048x128xf32>
    %ge3A_352 = arith.cmpf oge, %convert_element_type3A, %ge3A_351 : vector<2048x128xf32>
    %lt3A_353 = arith.constant 9.600000e+01 : f32
    %lt3A_354 = vector.broadcast %lt3A_353 : f32 to vector<2048x128xf32>
    %lt3A_355 = arith.cmpf olt, %convert_element_type3A, %lt3A_354 : vector<2048x128xf32>
    %and3A_356 = arith.andi %ge3A_352, %lt3A_355 : vector<2048x128xi1>
    %select_n3A_357 = arith.select %and3A_356, %slice3A_349, %broadcast_in_dim3A_5 : vector<2048x128xi1>, vector<2048x128xf32>
    %lt3A_358 = arith.cmpf olt, %select_n3A_357, %select_n3A_348 : vector<2048x128xf32>
    %jit3A_359 = arith.constant 4.200000e+01 : f32
    %broadcast_in_dim3A_360 = vector.broadcast %jit3A_359 : f32 to vector<2048x128xf32>
    %select_n3A_361 = arith.select %lt3A_358, %broadcast_in_dim3A_360, %select_n3A_347 : vector<2048x128xi1>, vector<2048x128xf32>
    %select_n3A_362 = arith.select %lt3A_358, %select_n3A_357, %select_n3A_348 : vector<2048x128xi1>, vector<2048x128xf32>
    %ge3A_363 = arith.constant 9.600000e+01 : f32
    %ge3A_364 = vector.broadcast %ge3A_363 : f32 to vector<2048x128xf32>
    %ge3A_365 = arith.cmpf oge, %convert_element_type3A, %ge3A_364 : vector<2048x128xf32>
    %lt3A_366 = arith.constant 1.280000e+02 : f32
    %lt3A_367 = vector.broadcast %lt3A_366 : f32 to vector<2048x128xf32>
    %lt3A_368 = arith.cmpf olt, %convert_element_type3A, %lt3A_367 : vector<2048x128xf32>
    %and3A_369 = arith.andi %ge3A_365, %lt3A_368 : vector<2048x128xi1>
    %select_n3A_370 = arith.select %and3A_369, %slice3A_349, %broadcast_in_dim3A_5 : vector<2048x128xi1>, vector<2048x128xf32>
    %lt3A_371 = arith.cmpf olt, %select_n3A_370, %broadcast_in_dim3A_5 : vector<2048x128xf32>
    %jit3A_372 = arith.constant 4.200000e+01 : f32
    %broadcast_in_dim3A_373 = vector.broadcast %jit3A_372 : f32 to vector<2048x128xf32>
    %select_n3A_374 = arith.select %lt3A_371, %broadcast_in_dim3A_373, %broadcast_in_dim3A_11 : vector<2048x128xi1>, vector<2048x128xf32>
    %select_n3A_375 = arith.select %lt3A_371, %select_n3A_370, %broadcast_in_dim3A_5 : vector<2048x128xi1>, vector<2048x128xf32>
    %slice3A_376 = vector.extract_strided_slice %sub3A_336 {offsets = [0, 384], sizes = [2048, 128], strides = [1, 1]} : vector<2048x1024xf32> to vector<2048x128xf32>
    %lt3A_377 = arith.cmpf olt, %slice3A_376, %select_n3A_375 : vector<2048x128xf32>
    %jit3A_378 = arith.constant 4.300000e+01 : f32
    %broadcast_in_dim3A_379 = vector.broadcast %jit3A_378 : f32 to vector<2048x128xf32>
    %select_n3A_380 = arith.select %lt3A_377, %broadcast_in_dim3A_379, %select_n3A_374 : vector<2048x128xi1>, vector<2048x128xf32>
    %select_n3A_381 = arith.select %lt3A_377, %slice3A_376, %select_n3A_375 : vector<2048x128xi1>, vector<2048x128xf32>
    %slice3A_382 = vector.extract_strided_slice %sub3A_336 {offsets = [0, 512], sizes = [2048, 128], strides = [1, 1]} : vector<2048x1024xf32> to vector<2048x128xf32>
    %lt3A_383 = arith.cmpf olt, %slice3A_382, %select_n3A_381 : vector<2048x128xf32>
    %jit3A_384 = arith.constant 4.400000e+01 : f32
    %broadcast_in_dim3A_385 = vector.broadcast %jit3A_384 : f32 to vector<2048x128xf32>
    %select_n3A_386 = arith.select %lt3A_383, %broadcast_in_dim3A_385, %select_n3A_380 : vector<2048x128xi1>, vector<2048x128xf32>
    %select_n3A_387 = arith.select %lt3A_383, %slice3A_382, %select_n3A_381 : vector<2048x128xi1>, vector<2048x128xf32>
    %slice3A_388 = vector.extract_strided_slice %sub3A_336 {offsets = [0, 640], sizes = [2048, 128], strides = [1, 1]} : vector<2048x1024xf32> to vector<2048x128xf32>
    %lt3A_389 = arith.cmpf olt, %slice3A_388, %select_n3A_387 : vector<2048x128xf32>
    %jit3A_390 = arith.constant 4.500000e+01 : f32
    %broadcast_in_dim3A_391 = vector.broadcast %jit3A_390 : f32 to vector<2048x128xf32>
    %select_n3A_392 = arith.select %lt3A_389, %broadcast_in_dim3A_391, %select_n3A_386 : vector<2048x128xi1>, vector<2048x128xf32>
    %select_n3A_393 = arith.select %lt3A_389, %slice3A_388, %select_n3A_387 : vector<2048x128xi1>, vector<2048x128xf32>
    %slice3A_394 = vector.extract_strided_slice %sub3A_336 {offsets = [0, 768], sizes = [2048, 128], strides = [1, 1]} : vector<2048x1024xf32> to vector<2048x128xf32>
    %lt3A_395 = arith.cmpf olt, %slice3A_394, %select_n3A_393 : vector<2048x128xf32>
    %jit3A_396 = arith.constant 4.600000e+01 : f32
    %broadcast_in_dim3A_397 = vector.broadcast %jit3A_396 : f32 to vector<2048x128xf32>
    %select_n3A_398 = arith.select %lt3A_395, %broadcast_in_dim3A_397, %select_n3A_392 : vector<2048x128xi1>, vector<2048x128xf32>
    %select_n3A_399 = arith.select %lt3A_395, %slice3A_394, %select_n3A_393 : vector<2048x128xi1>, vector<2048x128xf32>
    %slice3A_400 = vector.extract_strided_slice %sub3A_336 {offsets = [0, 896], sizes = [2048, 128], strides = [1, 1]} : vector<2048x1024xf32> to vector<2048x128xf32>
    %lt3A_401 = arith.cmpf olt, %slice3A_400, %select_n3A_399 : vector<2048x128xf32>
    %jit3A_402 = arith.constant 4.700000e+01 : f32
    %broadcast_in_dim3A_403 = vector.broadcast %jit3A_402 : f32 to vector<2048x128xf32>
    %select_n3A_404 = arith.select %lt3A_401, %broadcast_in_dim3A_403, %select_n3A_398 : vector<2048x128xi1>, vector<2048x128xf32>
    %select_n3A_405 = arith.select %lt3A_401, %slice3A_400, %select_n3A_399 : vector<2048x128xi1>, vector<2048x128xf32>
    %get3A_406 = arith.constant 6144 : index
    %get3A_407 = arith.constant 0 : index
    %get3A_408 = vector.load %arg3[%get3A_406, %get3A_407] : memref<8192x256xf32, #tpu.memory_space<vmem>>, vector<1024x256xf32>
    %get3A_409 = arith.constant 6144 : index
    %get3A_410 = vector.load %arg4[%get3A_409] : memref<8192xf32, #tpu.memory_space<vmem>>, vector<1024xf32>
    %dot_general3A_411 = arith.constant dense<0.000000e+00> : vector<2048x1024xf32>
    %dot_general3A_412 = tpu.matmul %add3A, %get3A_408, %dot_general3A_411 {dimension_numbers = #tpu.dot_dimension_numbers<[1], [1], [0], [0], [0, 0, 1, 0], [], []>, transpose_lhs_hint = false} : vector<2048x256xf32>, vector<1024x256xf32>, vector<2048x1024xf32> -> vector<2048x1024xf32>
    %broadcast_in_dim3A_413 = vector.shape_cast %get3A_410 : vector<1024xf32> to vector<1x1024xf32>
    %add3A_414 = vector.broadcast %get3A_4 : vector<2048x1xf32> to vector<2048x1024xf32>
    %add3A_415 = vector.broadcast %broadcast_in_dim3A_413 : vector<1x1024xf32> to vector<2048x1024xf32>
    %add3A_416 = arith.addf %add3A_414, %add3A_415 : vector<2048x1024xf32>
    %sub3A_417 = arith.subf %add3A_416, %dot_general3A_412 : vector<2048x1024xf32>
    %slice3A_418 = vector.extract_strided_slice %sub3A_417 {offsets = [0, 0], sizes = [2048, 128], strides = [1, 1]} : vector<2048x1024xf32> to vector<2048x128xf32>
    %lt3A_419 = arith.cmpf olt, %slice3A_418, %select_n3A_405 : vector<2048x128xf32>
    %jit3A_420 = arith.constant 4.800000e+01 : f32
    %broadcast_in_dim3A_421 = vector.broadcast %jit3A_420 : f32 to vector<2048x128xf32>
    %select_n3A_422 = arith.select %lt3A_419, %broadcast_in_dim3A_421, %select_n3A_404 : vector<2048x128xi1>, vector<2048x128xf32>
    %select_n3A_423 = arith.select %lt3A_419, %slice3A_418, %select_n3A_405 : vector<2048x128xi1>, vector<2048x128xf32>
    %slice3A_424 = vector.extract_strided_slice %sub3A_417 {offsets = [0, 128], sizes = [2048, 128], strides = [1, 1]} : vector<2048x1024xf32> to vector<2048x128xf32>
    %lt3A_425 = arith.cmpf olt, %slice3A_424, %select_n3A_423 : vector<2048x128xf32>
    %jit3A_426 = arith.constant 4.900000e+01 : f32
    %broadcast_in_dim3A_427 = vector.broadcast %jit3A_426 : f32 to vector<2048x128xf32>
    %select_n3A_428 = arith.select %lt3A_425, %broadcast_in_dim3A_427, %select_n3A_422 : vector<2048x128xi1>, vector<2048x128xf32>
    %select_n3A_429 = arith.select %lt3A_425, %slice3A_424, %select_n3A_423 : vector<2048x128xi1>, vector<2048x128xf32>
    %slice3A_430 = vector.extract_strided_slice %sub3A_417 {offsets = [0, 256], sizes = [2048, 128], strides = [1, 1]} : vector<2048x1024xf32> to vector<2048x128xf32>
    %lt3A_431 = arith.cmpf olt, %slice3A_430, %select_n3A_429 : vector<2048x128xf32>
    %jit3A_432 = arith.constant 5.000000e+01 : f32
    %broadcast_in_dim3A_433 = vector.broadcast %jit3A_432 : f32 to vector<2048x128xf32>
    %select_n3A_434 = arith.select %lt3A_431, %broadcast_in_dim3A_433, %select_n3A_428 : vector<2048x128xi1>, vector<2048x128xf32>
    %select_n3A_435 = arith.select %lt3A_431, %slice3A_430, %select_n3A_429 : vector<2048x128xi1>, vector<2048x128xf32>
    %slice3A_436 = vector.extract_strided_slice %sub3A_417 {offsets = [0, 384], sizes = [2048, 128], strides = [1, 1]} : vector<2048x1024xf32> to vector<2048x128xf32>
    %lt3A_437 = arith.cmpf olt, %slice3A_436, %select_n3A_435 : vector<2048x128xf32>
    %jit3A_438 = arith.constant 5.100000e+01 : f32
    %broadcast_in_dim3A_439 = vector.broadcast %jit3A_438 : f32 to vector<2048x128xf32>
    %select_n3A_440 = arith.select %lt3A_437, %broadcast_in_dim3A_439, %select_n3A_434 : vector<2048x128xi1>, vector<2048x128xf32>
    %select_n3A_441 = arith.select %lt3A_437, %slice3A_436, %select_n3A_435 : vector<2048x128xi1>, vector<2048x128xf32>
    %slice3A_442 = vector.extract_strided_slice %sub3A_417 {offsets = [0, 512], sizes = [2048, 128], strides = [1, 1]} : vector<2048x1024xf32> to vector<2048x128xf32>
    %lt3A_443 = arith.cmpf olt, %slice3A_442, %select_n3A_441 : vector<2048x128xf32>
    %jit3A_444 = arith.constant 5.200000e+01 : f32
    %broadcast_in_dim3A_445 = vector.broadcast %jit3A_444 : f32 to vector<2048x128xf32>
    %select_n3A_446 = arith.select %lt3A_443, %broadcast_in_dim3A_445, %select_n3A_440 : vector<2048x128xi1>, vector<2048x128xf32>
    %select_n3A_447 = arith.select %lt3A_443, %slice3A_442, %select_n3A_441 : vector<2048x128xi1>, vector<2048x128xf32>
    %slice3A_448 = vector.extract_strided_slice %sub3A_417 {offsets = [0, 640], sizes = [2048, 128], strides = [1, 1]} : vector<2048x1024xf32> to vector<2048x128xf32>
    %lt3A_449 = arith.cmpf olt, %slice3A_448, %select_n3A_447 : vector<2048x128xf32>
    %jit3A_450 = arith.constant 5.300000e+01 : f32
    %broadcast_in_dim3A_451 = vector.broadcast %jit3A_450 : f32 to vector<2048x128xf32>
    %select_n3A_452 = arith.select %lt3A_449, %broadcast_in_dim3A_451, %select_n3A_446 : vector<2048x128xi1>, vector<2048x128xf32>
    %select_n3A_453 = arith.select %lt3A_449, %slice3A_448, %select_n3A_447 : vector<2048x128xi1>, vector<2048x128xf32>
    %slice3A_454 = vector.extract_strided_slice %sub3A_417 {offsets = [0, 768], sizes = [2048, 128], strides = [1, 1]} : vector<2048x1024xf32> to vector<2048x128xf32>
    %lt3A_455 = arith.cmpf olt, %slice3A_454, %select_n3A_453 : vector<2048x128xf32>
    %jit3A_456 = arith.constant 5.400000e+01 : f32
    %broadcast_in_dim3A_457 = vector.broadcast %jit3A_456 : f32 to vector<2048x128xf32>
    %select_n3A_458 = arith.select %lt3A_455, %broadcast_in_dim3A_457, %select_n3A_452 : vector<2048x128xi1>, vector<2048x128xf32>
    %select_n3A_459 = arith.select %lt3A_455, %slice3A_454, %select_n3A_453 : vector<2048x128xi1>, vector<2048x128xf32>
    %slice3A_460 = vector.extract_strided_slice %sub3A_417 {offsets = [0, 896], sizes = [2048, 128], strides = [1, 1]} : vector<2048x1024xf32> to vector<2048x128xf32>
    %lt3A_461 = arith.cmpf olt, %slice3A_460, %select_n3A_459 : vector<2048x128xf32>
    %jit3A_462 = arith.constant 5.500000e+01 : f32
    %broadcast_in_dim3A_463 = vector.broadcast %jit3A_462 : f32 to vector<2048x128xf32>
    %select_n3A_464 = arith.select %lt3A_461, %broadcast_in_dim3A_463, %select_n3A_458 : vector<2048x128xi1>, vector<2048x128xf32>
    %select_n3A_465 = arith.select %lt3A_461, %slice3A_460, %select_n3A_459 : vector<2048x128xi1>, vector<2048x128xf32>
    %get3A_466 = arith.constant 7168 : index
    %get3A_467 = arith.constant 0 : index
    %get3A_468 = vector.load %arg3[%get3A_466, %get3A_467] : memref<8192x256xf32, #tpu.memory_space<vmem>>, vector<1024x256xf32>
    %get3A_469 = arith.constant 7168 : index
    %get3A_470 = vector.load %arg4[%get3A_469] : memref<8192xf32, #tpu.memory_space<vmem>>, vector<1024xf32>
    %dot_general3A_471 = arith.constant dense<0.000000e+00> : vector<2048x1024xf32>
    %dot_general3A_472 = tpu.matmul %add3A, %get3A_468, %dot_general3A_471 {dimension_numbers = #tpu.dot_dimension_numbers<[1], [1], [0], [0], [0, 0, 1, 0], [], []>, transpose_lhs_hint = false} : vector<2048x256xf32>, vector<1024x256xf32>, vector<2048x1024xf32> -> vector<2048x1024xf32>
    %broadcast_in_dim3A_473 = vector.shape_cast %get3A_470 : vector<1024xf32> to vector<1x1024xf32>
    %add3A_474 = vector.broadcast %get3A_4 : vector<2048x1xf32> to vector<2048x1024xf32>
    %add3A_475 = vector.broadcast %broadcast_in_dim3A_473 : vector<1x1024xf32> to vector<2048x1024xf32>
    %add3A_476 = arith.addf %add3A_474, %add3A_475 : vector<2048x1024xf32>
    %sub3A_477 = arith.subf %add3A_476, %dot_general3A_472 : vector<2048x1024xf32>
    %slice3A_478 = vector.extract_strided_slice %sub3A_477 {offsets = [0, 0], sizes = [2048, 128], strides = [1, 1]} : vector<2048x1024xf32> to vector<2048x128xf32>
    %lt3A_479 = arith.cmpf olt, %slice3A_478, %select_n3A_465 : vector<2048x128xf32>
    %jit3A_480 = arith.constant 5.600000e+01 : f32
    %broadcast_in_dim3A_481 = vector.broadcast %jit3A_480 : f32 to vector<2048x128xf32>
    %select_n3A_482 = arith.select %lt3A_479, %broadcast_in_dim3A_481, %select_n3A_464 : vector<2048x128xi1>, vector<2048x128xf32>
    %select_n3A_483 = arith.select %lt3A_479, %slice3A_478, %select_n3A_465 : vector<2048x128xi1>, vector<2048x128xf32>
    %slice3A_484 = vector.extract_strided_slice %sub3A_477 {offsets = [0, 128], sizes = [2048, 128], strides = [1, 1]} : vector<2048x1024xf32> to vector<2048x128xf32>
    %lt3A_485 = arith.cmpf olt, %slice3A_484, %select_n3A_483 : vector<2048x128xf32>
    %jit3A_486 = arith.constant 5.700000e+01 : f32
    %broadcast_in_dim3A_487 = vector.broadcast %jit3A_486 : f32 to vector<2048x128xf32>
    %select_n3A_488 = arith.select %lt3A_485, %broadcast_in_dim3A_487, %select_n3A_482 : vector<2048x128xi1>, vector<2048x128xf32>
    %select_n3A_489 = arith.select %lt3A_485, %slice3A_484, %select_n3A_483 : vector<2048x128xi1>, vector<2048x128xf32>
    %slice3A_490 = vector.extract_strided_slice %sub3A_477 {offsets = [0, 256], sizes = [2048, 128], strides = [1, 1]} : vector<2048x1024xf32> to vector<2048x128xf32>
    %lt3A_491 = arith.cmpf olt, %slice3A_490, %select_n3A_489 : vector<2048x128xf32>
    %jit3A_492 = arith.constant 5.800000e+01 : f32
    %broadcast_in_dim3A_493 = vector.broadcast %jit3A_492 : f32 to vector<2048x128xf32>
    %select_n3A_494 = arith.select %lt3A_491, %broadcast_in_dim3A_493, %select_n3A_488 : vector<2048x128xi1>, vector<2048x128xf32>
    %select_n3A_495 = arith.select %lt3A_491, %slice3A_490, %select_n3A_489 : vector<2048x128xi1>, vector<2048x128xf32>
    %slice3A_496 = vector.extract_strided_slice %sub3A_477 {offsets = [0, 384], sizes = [2048, 128], strides = [1, 1]} : vector<2048x1024xf32> to vector<2048x128xf32>
    %lt3A_497 = arith.cmpf olt, %slice3A_496, %select_n3A_495 : vector<2048x128xf32>
    %jit3A_498 = arith.constant 5.900000e+01 : f32
    %broadcast_in_dim3A_499 = vector.broadcast %jit3A_498 : f32 to vector<2048x128xf32>
    %select_n3A_500 = arith.select %lt3A_497, %broadcast_in_dim3A_499, %select_n3A_494 : vector<2048x128xi1>, vector<2048x128xf32>
    %select_n3A_501 = arith.select %lt3A_497, %slice3A_496, %select_n3A_495 : vector<2048x128xi1>, vector<2048x128xf32>
    %slice3A_502 = vector.extract_strided_slice %sub3A_477 {offsets = [0, 512], sizes = [2048, 128], strides = [1, 1]} : vector<2048x1024xf32> to vector<2048x128xf32>
    %lt3A_503 = arith.cmpf olt, %slice3A_502, %select_n3A_501 : vector<2048x128xf32>
    %jit3A_504 = arith.constant 6.000000e+01 : f32
    %broadcast_in_dim3A_505 = vector.broadcast %jit3A_504 : f32 to vector<2048x128xf32>
    %select_n3A_506 = arith.select %lt3A_503, %broadcast_in_dim3A_505, %select_n3A_500 : vector<2048x128xi1>, vector<2048x128xf32>
    %select_n3A_507 = arith.select %lt3A_503, %slice3A_502, %select_n3A_501 : vector<2048x128xi1>, vector<2048x128xf32>
    %slice3A_508 = vector.extract_strided_slice %sub3A_477 {offsets = [0, 640], sizes = [2048, 128], strides = [1, 1]} : vector<2048x1024xf32> to vector<2048x128xf32>
    %lt3A_509 = arith.cmpf olt, %slice3A_508, %select_n3A_507 : vector<2048x128xf32>
    %jit3A_510 = arith.constant 6.100000e+01 : f32
    %broadcast_in_dim3A_511 = vector.broadcast %jit3A_510 : f32 to vector<2048x128xf32>
    %select_n3A_512 = arith.select %lt3A_509, %broadcast_in_dim3A_511, %select_n3A_506 : vector<2048x128xi1>, vector<2048x128xf32>
    %select_n3A_513 = arith.select %lt3A_509, %slice3A_508, %select_n3A_507 : vector<2048x128xi1>, vector<2048x128xf32>
    %slice3A_514 = vector.extract_strided_slice %sub3A_477 {offsets = [0, 768], sizes = [2048, 128], strides = [1, 1]} : vector<2048x1024xf32> to vector<2048x128xf32>
    %lt3A_515 = arith.cmpf olt, %slice3A_514, %select_n3A_513 : vector<2048x128xf32>
    %jit3A_516 = arith.constant 6.200000e+01 : f32
    %broadcast_in_dim3A_517 = vector.broadcast %jit3A_516 : f32 to vector<2048x128xf32>
    %select_n3A_518 = arith.select %lt3A_515, %broadcast_in_dim3A_517, %select_n3A_512 : vector<2048x128xi1>, vector<2048x128xf32>
    %select_n3A_519 = arith.select %lt3A_515, %slice3A_514, %select_n3A_513 : vector<2048x128xi1>, vector<2048x128xf32>
    %slice3A_520 = vector.extract_strided_slice %sub3A_477 {offsets = [0, 896], sizes = [2048, 128], strides = [1, 1]} : vector<2048x1024xf32> to vector<2048x128xf32>
    %lt3A_521 = arith.cmpf olt, %slice3A_520, %select_n3A_519 : vector<2048x128xf32>
    %jit3A_522 = arith.constant 6.300000e+01 : f32
    %broadcast_in_dim3A_523 = vector.broadcast %jit3A_522 : f32 to vector<2048x128xf32>
    %select_n3A_524 = arith.select %lt3A_521, %broadcast_in_dim3A_523, %select_n3A_518 : vector<2048x128xi1>, vector<2048x128xf32>
    %select_n3A_525 = arith.select %lt3A_521, %slice3A_520, %select_n3A_519 : vector<2048x128xi1>, vector<2048x128xf32>
    %broadcast_in_dim3A_526 = arith.constant 0x7F80 : bf16
    %broadcast_in_dim3A_527 = vector.broadcast %broadcast_in_dim3A_526 : bf16 to vector<2048xbf16>
    %broadcast_in_dim3A_528 = arith.constant 0.000000e+00 : f32
    %broadcast_in_dim3A_529 = vector.broadcast %broadcast_in_dim3A_528 : f32 to vector<2048xf32>
    %broadcast_in_dim3A_530 = arith.constant 0x7F800000 : f32
    %broadcast_in_dim3A_531 = vector.broadcast %broadcast_in_dim3A_530 : f32 to vector<2048xf32>
    %reduce_min3A = arith.constant dense<0x7F800000> : vector<2048xf32>
    %reduce_min3A_532 = vector.multi_reduction <minimumf>, %select_n3A_179, %reduce_min3A [1] : vector<2048x128xf32> to vector<2048xf32>
    %mul3A = arith.constant 1.280000e+02 : f32
    %mul3A_533 = vector.broadcast %mul3A : f32 to vector<2048x128xf32>
    %mul3A_534 = arith.mulf %select_n3A_178, %mul3A_533 : vector<2048x128xf32>
    %add3A_535 = arith.addf %mul3A_534, %convert_element_type3A : vector<2048x128xf32>
    %broadcast_in_dim3A_536 = vector.shape_cast %reduce_min3A_532 : vector<2048xf32> to vector<2048x1xf32>
    %eq3A = vector.broadcast %broadcast_in_dim3A_536 : vector<2048x1xf32> to vector<2048x128xf32>
    %eq3A_537 = arith.cmpf oeq, %select_n3A_179, %eq3A : vector<2048x128xf32>
    %jit3A_538 = arith.constant 0x7F800000 : f32
    %broadcast_in_dim3A_539 = vector.broadcast %jit3A_538 : f32 to vector<2048x128xf32>
    %select_n3A_540 = arith.select %eq3A_537, %add3A_535, %broadcast_in_dim3A_539 : vector<2048x128xi1>, vector<2048x128xf32>
    %reduce_min3A_541 = arith.constant dense<0x7F800000> : vector<2048xf32>
    %reduce_min3A_542 = vector.multi_reduction <minimumf>, %select_n3A_540, %reduce_min3A_541 [1] : vector<2048x128xf32> to vector<2048xf32>
    %convert_element_type3A_543 = arith.extf %broadcast_in_dim3A_527 : vector<2048xbf16> to vector<2048xf32>
    %lt3A_544 = arith.cmpf olt, %convert_element_type3A_543, %reduce_min3A_532 : vector<2048xf32>
    %eq3A_545 = arith.cmpf oeq, %convert_element_type3A_543, %reduce_min3A_532 : vector<2048xf32>
    %or3A = arith.ori %lt3A_544, %eq3A_545 : vector<2048xi1>
    %select_n3A_546 = arith.select %or3A, %broadcast_in_dim3A_529, %reduce_min3A_542 : vector<2048xi1>, vector<2048xf32>
    %select_n3A_547 = arith.select %lt3A_544, %convert_element_type3A_543, %reduce_min3A_532 : vector<2048xi1>, vector<2048xf32>
    %convert_element_type3A_548 = arith.truncf %select_n3A_547 : vector<2048xf32> to vector<2048xbf16>
    %min3A = arith.minimumf %broadcast_in_dim3A_531, %reduce_min3A_532 : vector<2048xf32>
    %reduce_min3A_549 = arith.constant dense<0x7F800000> : vector<2048xf32>
    %reduce_min3A_550 = vector.multi_reduction <minimumf>, %select_n3A_362, %reduce_min3A_549 [1] : vector<2048x128xf32> to vector<2048xf32>
    %mul3A_551 = arith.constant 1.280000e+02 : f32
    %mul3A_552 = vector.broadcast %mul3A_551 : f32 to vector<2048x128xf32>
    %mul3A_553 = arith.mulf %select_n3A_361, %mul3A_552 : vector<2048x128xf32>
    %add3A_554 = arith.addf %mul3A_553, %convert_element_type3A : vector<2048x128xf32>
    %broadcast_in_dim3A_555 = vector.shape_cast %reduce_min3A_550 : vector<2048xf32> to vector<2048x1xf32>
    %eq3A_556 = vector.broadcast %broadcast_in_dim3A_555 : vector<2048x1xf32> to vector<2048x128xf32>
    %eq3A_557 = arith.cmpf oeq, %select_n3A_362, %eq3A_556 : vector<2048x128xf32>
    %jit3A_558 = arith.constant 0x7F800000 : f32
    %broadcast_in_dim3A_559 = vector.broadcast %jit3A_558 : f32 to vector<2048x128xf32>
    %select_n3A_560 = arith.select %eq3A_557, %add3A_554, %broadcast_in_dim3A_559 : vector<2048x128xi1>, vector<2048x128xf32>
    %reduce_min3A_561 = arith.constant dense<0x7F800000> : vector<2048xf32>
    %reduce_min3A_562 = vector.multi_reduction <minimumf>, %select_n3A_560, %reduce_min3A_561 [1] : vector<2048x128xf32> to vector<2048xf32>
    %convert_element_type3A_563 = arith.extf %convert_element_type3A_548 : vector<2048xbf16> to vector<2048xf32>
    %lt3A_564 = arith.cmpf olt, %convert_element_type3A_563, %reduce_min3A_550 : vector<2048xf32>
    %eq3A_565 = arith.cmpf oeq, %convert_element_type3A_563, %reduce_min3A_550 : vector<2048xf32>
    %or3A_566 = arith.ori %lt3A_564, %eq3A_565 : vector<2048xi1>
    %select_n3A_567 = arith.select %or3A_566, %select_n3A_546, %reduce_min3A_562 : vector<2048xi1>, vector<2048xf32>
    %select_n3A_568 = arith.select %lt3A_564, %convert_element_type3A_563, %reduce_min3A_550 : vector<2048xi1>, vector<2048xf32>
    %convert_element_type3A_569 = arith.truncf %select_n3A_568 : vector<2048xf32> to vector<2048xbf16>
    %min3A_570 = arith.minimumf %min3A, %reduce_min3A_550 : vector<2048xf32>
    %reduce_min3A_571 = arith.constant dense<0x7F800000> : vector<2048xf32>
    %reduce_min3A_572 = vector.multi_reduction <minimumf>, %select_n3A_525, %reduce_min3A_571 [1] : vector<2048x128xf32> to vector<2048xf32>
    %mul3A_573 = arith.constant 1.280000e+02 : f32
    %mul3A_574 = vector.broadcast %mul3A_573 : f32 to vector<2048x128xf32>
    %mul3A_575 = arith.mulf %select_n3A_524, %mul3A_574 : vector<2048x128xf32>
    %add3A_576 = arith.addf %mul3A_575, %convert_element_type3A : vector<2048x128xf32>
    %broadcast_in_dim3A_577 = vector.shape_cast %reduce_min3A_572 : vector<2048xf32> to vector<2048x1xf32>
    %eq3A_578 = vector.broadcast %broadcast_in_dim3A_577 : vector<2048x1xf32> to vector<2048x128xf32>
    %eq3A_579 = arith.cmpf oeq, %select_n3A_525, %eq3A_578 : vector<2048x128xf32>
    %jit3A_580 = arith.constant 0x7F800000 : f32
    %broadcast_in_dim3A_581 = vector.broadcast %jit3A_580 : f32 to vector<2048x128xf32>
    %select_n3A_582 = arith.select %eq3A_579, %add3A_576, %broadcast_in_dim3A_581 : vector<2048x128xi1>, vector<2048x128xf32>
    %reduce_min3A_583 = arith.constant dense<0x7F800000> : vector<2048xf32>
    %reduce_min3A_584 = vector.multi_reduction <minimumf>, %select_n3A_582, %reduce_min3A_583 [1] : vector<2048x128xf32> to vector<2048xf32>
    %convert_element_type3A_585 = arith.extf %convert_element_type3A_569 : vector<2048xbf16> to vector<2048xf32>
    %lt3A_586 = arith.cmpf olt, %convert_element_type3A_585, %reduce_min3A_572 : vector<2048xf32>
    %eq3A_587 = arith.cmpf oeq, %convert_element_type3A_585, %reduce_min3A_572 : vector<2048xf32>
    %or3A_588 = arith.ori %lt3A_586, %eq3A_587 : vector<2048xi1>
    %select_n3A_589 = arith.select %or3A_588, %select_n3A_567, %reduce_min3A_584 : vector<2048xi1>, vector<2048xf32>
    %min3A_590 = arith.minimumf %min3A_570, %reduce_min3A_572 : vector<2048xf32>
    %convert_element_type3A_591 = arith.fptosi %select_n3A_589 : vector<2048xf32> to vector<2048xi32>
    %swap3A = arith.constant 0 : index
    %swap3A_592 = vector.load %arg5[%swap3A] : memref<2048xi32, #tpu.memory_space<vmem>>, vector<2048xi32>
    tpu.vector_store %arg5[%swap3A], %convert_element_type3A_591 {strides = array<i32>} : memref<2048xi32, #tpu.memory_space<vmem>>, vector<2048xi32>,
    %swap3A_593 = arith.constant 0 : index
    %swap3A_594 = vector.load %arg6[%swap3A_593] : memref<2048xf32, #tpu.memory_space<vmem>>, vector<2048xf32>
    tpu.vector_store %arg6[%swap3A_593], %min3A_590 {strides = array<i32>} : memref<2048xf32, #tpu.memory_space<vmem>>, vector<2048xf32>,
    return
  }
  func.func @transform_0(%arg0: i32) -> (i32, i32) {
    %c0_i32 = arith.constant 0 : i32
    %c0_i32_0 = arith.constant 0 : i32
    return %arg0, %c0_i32 : i32, i32
  }
  func.func @transform_1(%arg0: i32) -> (i32, i32) {
    %c0_i32 = arith.constant 0 : i32
    %c0_i32_0 = arith.constant 0 : i32
    return %arg0, %c0_i32 : i32, i32
  }
  func.func @transform_2(%arg0: i32) -> (i32, i32) {
    %c0_i32 = arith.constant 0 : i32
    %c0_i32_0 = arith.constant 0 : i32
    %c0_i32_1 = arith.constant 0 : i32
    return %c0_i32, %c0_i32_0 : i32, i32
  }
  func.func @transform_3(%arg0: i32) -> i32 {
    %c0_i32 = arith.constant 0 : i32
    %c0_i32_0 = arith.constant 0 : i32
    return %c0_i32 : i32
  }
  func.func @transform_4(%arg0: i32) -> i32 {
    %c0_i32 = arith.constant 0 : i32
    return %arg0 : i32
  }
  func.func @transform_5(%arg0: i32) -> i32 {
    %c0_i32 = arith.constant 0 : i32
    return %arg0 : i32
  }
}

</mosaic_0001>

<sc_bundles>
// kernel: kernel.4.cloned.1.call-start
scs
__scs_entry_jumppad:
0x0: {  	(pc) =	sbr.rel $0x88, $3  }
0x1: {  	(tag) =	ssettag $0x0;
	lr =	simm.s32 $0x1  }
0x2: {  	[smem:$0x3F9F] =	sst lr;
	_ =	strace $0xD0000000  }
0x3: {  	_ = 	snop  }
0x4: {  	_ = 	snop  }
0x5: {  	_ = 	snop  }
0x6: {  	_ = 	snop  }
0x7: {  	_ = 	snop  }
__scs_overlays_trampoline_lowered:
0x8: {  	[smem:$0x3FAE] =	sst s0  }
0x9: {  	[smem:$0x3FAF] =	sst s1  }
0xa: {  	[smem:$0x3FB0] =	sst s2  }
0xb: {  	[smem:$0x3FB1] =	sst s3  }
0xc: {  	[smem:$0x3FB2] =	sst s4  }
0xd: {  	[smem:$0x3FB3] =	sst s5  }
0xe: {  	[smem:$0x3FB4] =	sst s6  }
0xf: {  	[smem:$0x3FB5] =	sst s7  }
0x10: {  	[smem:$0x3FB6] =	sst s8  }
0x11: {  	[smem:$0x3FB7] =	sst s9;
	s0 =	simm.s32 @!p0 $0x0  }
0x12: {  	s1 =	sld [smem:$0x3F9D];
	s0 =	simm.s32 @p0 $0x1  }
0x13: {  	[smem:$0x3FB8] =	sst s0;
	s0 =	simm.s32 @!p1 $0x0  }
0x14: {  	s2 =	sld [smem:$0x3F9C];
	s0 =	simm.s32 @p1 $0x1  }
0x15: {  	[smem:$0x3FB9] =	sst s0;
	s0 =	simm.s32 @!p2 $0x0  }
0x16: {  	s3 =	sld [smem:$0x3FDB];
	s0 =	simm.s32 @p2 $0x1  }
0x17: {  	s4 =	simm.s32 $0x1BF5;
	[smem:$0x3FBB] =	sst s0  }
0x18: {  	s0 =	sld [smem:$0x3F9E];
	_ =	swait.ge [sflag:s4], $0x0  }
0x19: {  	s7 =	sld [smem:$0x3F9F]  }
0x1a: {  	s8 =	sadd.s32 $0xFFFFE003, lr  }
0x1b: {  	s9 =	sadd.s32 $0xFFFFFEF7, lr;
	s5 =	simm.s32 $0xFFFFFFFF;
	p2 =	slt.u32 s8, $0xFFFFF086  }
0x1c: {  	p1 =	slt.u32 s9, $0xF7A;
	s5 =	simm.s32 @!p2 $0x0  }
0x1d: {  	s5 =	simm.s32 @p1 $0x1;
	p0 =	seq.s32 s7, s2  }
0x1e: {  	s7 =	smul.u32 @!p0 $0xF7A, s2;
	p2 =	seq.s32 @!p0 s5, $0x0  }
0x1f: {  	s9 =	smul.u32 $0xF7A, s1;
	s8 =	simm.s32 @!p0 $0x1BF5;
	p2 =	por !p2, p0  }
0x20: {  	[sflag:s8] =	ssyncset.s32 @!p0 $0xFFFFF086;
	s6 =	sadd.s32 @!p0 s3, s7;
	s7 =	simm.s32 @!p0 $0x108  }
0x21: {  	s3 =	sadd.s32 s3, s9;
	s6 =	sadd.s32 @!p0 $0x88, s6;
	s7 =	simm.s32 @p2 $0x1082  }
0x22: {  	[simem:s7], [sflag:s8] =	dma.local @!p0 [hbm:s6], $0xF7A  }
0x23: {  	s9 =	sor.u32 $0xD0000000, s2;
	s6 =	simm.s32 $0x108;
	_ =	swait.ge @!p0 [sflag:s8], $0x0  }
0x24: {  	s3 =	sadd.s32 $0x88, s3;
	s6 =	simm.s32 @!p1 $0x1082;
	[sflag:s4] =	ssyncset.s32 $0xFFFFF086  }
0x25: {  	[simem:s6], [sflag:s4] =	dma.local [hbm:s3], $0xF7A  }
0x26: {  	[smem:$0x3F9F] =	sst s1;
	(tag) =	ssettag s2;
	_ =	strace s9  }
0x27: {  	s1 =	sld [smem:$0x3FAF]  }
0x28: {  	s2 =	sld [smem:$0x3FB0]  }
0x29: {  	s4 =	sld [smem:$0x3FB2]  }
0x2a: {  	p0 =	seq.s32 s5, $0x0;
	s5 =	sld [smem:$0x3FB3]  }
0x2b: {  	s6 =	sld [smem:$0x3FB4]  }
0x2c: {  	s7 =	sld [smem:$0x3FB5]  }
0x2d: {  	s3 =	simm.s32 $0x108;
	s8 =	sld [smem:$0x3FB6]  }
0x2e: {  	s3 =	simm.s32 @!p0 $0x1082;
	s9 =	sld [smem:$0x3FB7]  }
0x2f: {  	lr =	sadd.s32 s0, s3;
	s0 =	sld [smem:$0x3FAE]  }
0x30: {  	s3 =	sld [smem:$0x3FB1]  }
0x31: {  	[smem:$0x3FBA] =	sst s10  }
0x32: {  	s10 =	sld [smem:$0x3FB8];
	_ =	sdelay $0x3  }
0x33: {  	p0 =	seq.s32 s10, $0x1;
	s10 =	sld [smem:$0x3FBA];
	_ =	sdelay $0x3  }
0x34: {  	[smem:$0x3FBA] =	sst s10  }
0x35: {  	s10 =	sld [smem:$0x3FB9];
	_ =	sdelay $0x3  }
0x36: {  	p1 =	seq.s32 s10, $0x1;
	s10 =	sld [smem:$0x3FBA];
	_ =	sdelay $0x3  }
0x37: {  	[smem:$0x3FBA] =	sst s10  }
0x38: {  	s10 =	sld [smem:$0x3FBB]  }
0x39: {  	_ = 	snop;
	(pc) =	sbr.ind lr, $3  }
0x3a: {  	_ = 	snop  }
0x3b: {  	_ = 	snop  }
0x3c: {  	p2 =	seq.s32 s10, $0x1;
	s10 =	sld [smem:$0x3FBA]  }
0x3d: {  	_ =	shalt  }
0x3e: {  	_ =	shalt  }
0x3f: {  	_ =	shalt  }
0x40: {  	_ =	shalt  }
0x41: {  	_ =	shalt  }
0x42: {  	_ =	shalt  }
0x43: {  	_ =	shalt  }
0x44: {  	_ =	shalt  }
0x45: {  	_ =	shalt  }
0x46: {  	_ =	shalt  }
0x47: {  	_ =	shalt  }
0x48: {  	_ =	shalt  }
0x49: {  	_ =	shalt  }
0x4a: {  	_ =	shalt  }
0x4b: {  	_ =	shalt  }
0x4c: {  	_ =	shalt  }
0x4d: {  	_ =	shalt  }
0x4e: {  	_ =	shalt  }
0x4f: {  	_ =	shalt  }
0x50: {  	_ =	shalt  }
0x51: {  	_ =	shalt  }
0x52: {  	_ =	shalt  }
0x53: {  	_ =	shalt  }
0x54: {  	_ =	shalt  }
0x55: {  	_ =	shalt  }
0x56: {  	_ =	shalt  }
0x57: {  	_ =	shalt  }
0x58: {  	_ =	shalt  }
0x59: {  	_ =	shalt  }
0x5a: {  	_ =	shalt  }
0x5b: {  	_ =	shalt  }
0x5c: {  	_ =	shalt  }
0x5d: {  	_ =	shalt  }
0x5e: {  	_ =	shalt  }
0x5f: {  	_ =	shalt  }
0x60: {  	_ =	shalt  }
0x61: {  	_ =	shalt  }
0x62: {  	_ =	shalt  }
0x63: {  	_ =	shalt  }
0x64: {  	_ =	shalt  }
0x65: {  	_ =	shalt  }
0x66: {  	_ =	shalt  }
0x67: {  	_ =	shalt  }
0x68: {  	_ =	shalt  }
0x69: {  	_ =	shalt  }
0x6a: {  	_ =	shalt  }
0x6b: {  	_ =	shalt  }
0x6c: {  	_ =	shalt  }
0x6d: {  	_ =	shalt  }
0x6e: {  	_ =	shalt  }
0x6f: {  	_ =	shalt  }
0x70: {  	_ =	shalt  }
0x71: {  	_ =	shalt  }
0x72: {  	_ =	shalt  }
0x73: {  	_ =	shalt  }
0x74: {  	_ =	shalt  }
0x75: {  	_ =	shalt  }
0x76: {  	_ =	shalt  }
0x77: {  	_ =	shalt  }
0x78: {  	_ =	shalt  }
0x79: {  	_ =	shalt  }
0x7a: {  	_ =	shalt  }
0x7b: {  	_ =	shalt  }
0x7c: {  	_ =	shalt  }
0x7d: {  	_ =	shalt  }
0x7e: {  	_ =	shalt  }
0x7f: {  	_ =	shalt  }
0x80: {  	_ =	shalt  }
0x81: {  	_ =	shalt  }
0x82: {  	_ =	shalt  }
0x83: {  	_ =	shalt  }
0x84: {  	_ =	shalt  }
0x85: {  	_ =	shalt  }
0x86: {  	_ =	shalt  }
0x87: {  	_ =	shalt  }
.Lfunc_end0:
.L_simem_size_0:
called_computation_lowered:
.L_overlay_start_0:
0x88: {  	s2 =	sld [smem:$0x3FD9]  }
0x89: {  	s3 =	sld [smem:$0x3FFE];
	_ =	sdelay $0x1  }
0x8a: {  	s1 =	srdreg.scid  }
0x8b: {  	s0 =	sand.u32 $0x1, s1  }
0x8c: {  	s14 =	sshll.u32 s0, $0xA;
	s2 =	sadd.s32 s3, s2  }
0x8d: {  	s2 =	sadd.s32 s2, s14  }
0x8e: {  	[smem:$0x3FC6] =	sst s2  }
0x8f: {  	_ = 	snop  }
0x90: {  	s2 =	sld [smem:$0x3FD0];
	_ =	sdelay $0x2  }
0x91: {  	s4 =	simm.s32 $0xA;
	s5 =	simm.s32 $0x10;
	s15 =	sld [smem:$0x3FC8]  }
0x92: {  	[smem:s5], [sflag:s4] =	dma.local [hbm:s2], $0x1  }
0x93: {  	_ =	swait.eq [sflag:s4], $0x1  }
0x94: {  	[sflag:s4] =	ssyncset.done $0x0  }
0x95: {  	[sflag:s4] =	ssyncadd.s32 $0xFFFFFFFF  }
0x96: {  	s16 =	sld [smem:$0x10];
	(tm) =	ssettm $0x1  }
0x97: {  	s17 =	sld [smem:$0x3FFB];
	_ =	sdelay $0x3  }
0x98: {  	_ =	strace s17  }
0x99: {  	s4 =	sld [smem:$0x3FFC];
	_ =	sdelay $0x3  }
0x9a: {  	_ =	strace s4  }
0x9b: {  	s4 =	sld [smem:$0x3FFD];
	_ =	sdelay $0x3  }
0x9c: {  	_ =	strace s4  }
0x9d: {  	_ =	strace $0x8FFFFFFF  }
0x9e: {  	s18 =	sld [smem:$0x3FDB];
	_ =	sdelay $0x1  }
0x9f: {  	s19 =	simm.s32 $_scs_section_size  }
0xa0: {  	s6 =	simm.s32 $_size__tile_overlayer_lowered;
	s7 =	simm.s32 $_tile_overlayer_lowered  }
0xa1: {  	s22 =	simm.s32 $0x1BFF;
	s21 =	sshll.u32 s7, $0x1;
	s4 =	sadd.s32 s19, s18  }
0xa2: {  	s8 =	simm.s32 $0x0;
	s20 =	sshll.u32 s6, $0x1;
	s6 =	sadd.s32 s21, s4  }
0xa3: {  	[timem:s8], [sflag:s22] =	dma.local [hbm:s6], s20  }
0xa4: {  	_ =	swait.ge [sflag:s22], s20  }
0xa5: {  	s5 =	ssub.s32 $0x0, s20;
	[sflag:s22] =	ssyncset.done $0x0  }
0xa6: {  	[sflag:s22] =	ssyncadd.s32 s5;
	_ =	sdelay $0x1  }
0xa7: {  	s23 =	simm.s32 $0x1B8B  }
0xa8: {  	_ =	swait.ge [sflag:s23], $0x1  }
0xa9: {  	[sflag:s23] =	ssyncset.done $0x0  }
0xaa: {  	s25 =	simm.s32 $0x1B8E;
	s24 =	sld [smem:$0x3FFE];
	[sflag:s23] =	ssyncadd.s32 $0xFFFFFFFF  }
0xab: {  	s26 =	simm.s32 $execute0_lowered;
	[smem:$0x3FD2] =	sst s25  }
0xac: {  	s6 =	sshll.u32 s26, $0x1;
	_ =	strace $0x80000046;
	[dreg:$0x1] =	wrdreg $0xFFFFFFFF  }
0xad: {  	s28 =	simm.s32 $_size_execute0_lowered;
	s4 =	sadd.s32 s4, s6;
	[dreg:$0x0] =	wrdreg $0x0  }
0xae: {  	s6 =	sshll.u32 s28, $0x1;
	[dreg:$0x2] =	wrdreg s4  }
0xaf: {  	[dreg:$0x3] =	wrdreg s6  }
0xb0: {  	[dreg:$0x4] =	wrdreg $0xC0  }
0xb1: {  	_ =	task [dreg:s8], $0x5FFFF  }
0xb2: {  	[dreg:$0x1] =	wrdreg $0xFFFFFFFF  }
0xb3: {  	[dreg:$0x0] =	wrdreg $0x60  }
0xb4: {  	[dreg:$0x2] =	wrdreg s15  }
0xb5: {  	[dreg:$0x3] =	wrdreg s24  }
0xb6: {  	[dreg:$0x4] =	wrdreg s16  }
0xb7: {  	[dreg:$0x5] =	wrdreg $0x9  }
0xb8: {  	_ =	task.clear_ibuf [dreg:s8], $0x6FFFF;
	_ =	strace $0x90000046  }
0xb9: {  	s29 =	simm.s32 $0x9;
	_ =	strace $0x80000048  }
0xba: {  	_ =	swait.ge [sflag:s29], $0x1  }
0xbb: {  	[sflag:s29] =	ssyncadd.s32 $0xFFFFFFFF  }
0xbc: {  	_ =	strace $0x90000048  }
0xbd: {  	_ =	sfence  }
0xbe: {  	s30 =	sld [smem:$0x0];
	_ =	sdelay $0x2  }
0xbf: {  	s31 =	sshll.u32 s1, $0xD;
	s1 =	sshrl.u32 s1, $0x2  }
0xc0: {  	s3 =	sand.u32 $0x4000, s31;
	s1 =	sadd.s32 s1, s30  }
0xc1: {  	s0 =	sor.u32 s3, s0;
	s1 =	sshll.u32 s1, $0x11  }
0xc2: {  	s0 =	sor.u32 s1, s0  }
0xc3: {  	s0 =	sadd.s32 $0x8F2B, s0  }
0xc4: {  	[sflag:s0] =	ssyncadd.remote.s32 $0x1  }
0xc5: {  	_ =	sfence.sel $0xFFFF  }
0xc6: {  	[dreg:$0x0] =	wrdreg $0xFFFFFFFF;
	(pc) =	sbr.abs _section_cstart, $3  }
0xc7: {  	[dreg:$0x1] =	wrdreg $0xFFFFFFFF  }
0xc8: {  	_ =	task.clear_ibuf [dreg:s8], $0x2FFFF;
	_ =	strace $0x9FFFFFFF  }
0xc9: {  	(tm) =	ssettm $0x7FFFFFFF  }
tec
execute0_lowered:
.L_overlay_start_1:
0x0: {  	(tag) =	ssettag $0x1  }
0x1: {  	s0 =	srdreg.scid;
	s1 =	rddreg [dreg:$0x0]  }
0x2: {  	s3 =	stileid.u32;
	s2 =	rddreg [dreg:$0x1]  }
0x3: {  	s5 =	rddreg [dreg:$0x2];
	s15 =	simm.s32 $0x2;
	s17 =	simm.s32 $0x1200  }
0x4: {  	s18 =	simm.s32 $0x1A00;
	s19 =	simm.s32 $0x2200;
	s20 =	simm.s32 $0x2A00  }
0x5: {  	s21 =	simm.s32 $0x3200;
	s22 =	simm.s32 $0x3A00;
	s28 =	simm.s32 $0x5A00  }
0x6: {  	s29 =	simm.s32 $0x6200;
	s30 =	simm.s32 $0x6A00;
	s31 =	simm.s32 $0x7200  }
0x7: {  	s8 =	simm.s32 $0x9200;
	s9 =	simm.s32 $0x9A00;
	s10 =	simm.s32 $0xA200  }
0x8: {  	s11 =	simm.s32 $0xAA00;
	s13 =	simm.s32 $0xBA00;
	s0 =	sand.u32 $0x1, s0  }
0x9: {  	s14 =	simm.s32 $0x200;
	s3 =	sshll.u32 s3, $0xA;
	s4 =	sshll.u32 s0, $0x9  }
0xa: {  	s0 =	ssub.s32 $0x2, s0;
	s4 =	sor.u32 s4, s3;
	s3 =	simm.s32 $0x0  }
0xb: {  	s25 =	sshrl.u32 s0, $0x1;
	s6 =	sshrl.u32 s4, $0x3;
	s4 =	sshll.u32 s4, $0x5  }
0xc: {  	[smem:$0x7FF] =	sst s3;
	s2 =	sadd.s32 s6, s2;
	s4 =	sadd.s32 s5, s4  }
0xd: {  	_ =	strace $0x80000047;
	s2 =	sadd.s32 $0x1200, s2;
	[dreg:$0x8] =	wrdreg s4  }
0xe: {  	s0 =	ssub.s32 s0, s25;
	s23 =	sadd.s32 $0x1000, s4;
	[dreg:$0x4] =	wrdreg s2  }
0xf: {  	s25 =	simm.s32 $0x4A00;
	s24 =	sadd.s32 $0x2000, s4;
	[dreg:$0x5] =	wrdreg s23  }
0x10: {  	v2 =	vlaneseq.u32;
	s5 =	smax.u32 s0, $0x1;
	s26 =	sadd.s32 $0x3000, s4;
	[dreg:$0x6] =	wrdreg s24  }
0x11: {  	vm0 =	vmmov $0xffff;
	v1 =	vshrl.u32 v2, $0x3;
	s6 =	simm.s32 $0x3;
	s4 =	simm.s32 $0x1;
	[dreg:$0x7] =	wrdreg s26  }
0x12: {  	v0 =	vand.u32 $0x7, v2;
	v2 =	vor.u32 $0x8, v2;
	v1 =	vmul.u32 $0x8, v1;
	s24 =	simm.s32 $0x4200;
	s26 =	simm.s32 $0x5200;
	s23 =	simm.s32 $0x8A00  }
.LBB2_1:
0x13: {  	s16 =	rddreg [dreg:$0x4]  }
0x14: {  	[tilespmem:s3], [sflag:$0x3] =	stream.linear.gather [hbm4b:s16+s3], $0x200, $0x38;
	[tilespmem:$0x10200] =	vst v63  }
0x15: {  	_ =	swait.ge [sflag:s6], $0x200  }
0x16: {  	[sflag:s6] =	ssyncset.done $0x0  }
0x17: {  	[sflag:s6] =	ssyncadd.s32 $0xFFFFFE00  }
0x18: {  	v3 =	vld [tilespmem:$0x0];
	_ =	sdelay $0x4  }
0x19: {  	v4 =	vshll.u32 v3, $0x1  }
0x1a: {  	v3 =	vand.u32 $0x7, v3;
	v4 =	vand.u32 $0xFFFFFFF0, v4  }
0x1b: {  	v3 =	vor.u32 v3, v4  }
0x1c: {  	v4 =	vperm.xlane v3, v0;
	_ =	sdelay $0x1  }
0x1d: {  	v3 =	vperm.xlane v3, v2;
	v4 =	vadd.s32 v1, v4;
	_ =	sdelay $0x1  }
0x1e: {  	v3 =	vadd.s32 v1, v3;
	_ =	sdelay $0x1  }
0x1f: {  	s0 =	simm.s32 $0x200  }
0x20: {  	[tilespmem:s0], [sflag:$0x1] =	stream.indirect_vreg.gather [hbm4b:s1+s3], $0x80, v4, vm0, $0xb8;
	[tilespmem:$0x10200] =	vst v63  }
0x21: {  	s16 =	simm.s32 $0xA00  }
0x22: {  	[tilespmem:s16], [sflag:$0x1] =	stream.indirect_vreg.gather [hbm4b:s1+s3], $0x80, v3, vm0, $0xb8;
	[tilespmem:$0x10200] =	vst v63  }
0x23: {  	v3 =	vld [tilespmem:$0x10];
	_ =	sdelay $0x4  }
0x24: {  	v33 =	vshll.u32 v3, $0x1  }
0x25: {  	v3 =	vand.u32 $0x7, v3;
	v4 =	vand.u32 $0xFFFFFFF0, v33  }
0x26: {  	v3 =	vor.u32 v3, v4  }
0x27: {  	v4 =	vperm.xlane v3, v0;
	_ =	sdelay $0x1  }
0x28: {  	v3 =	vperm.xlane v3, v2;
	v4 =	vadd.s32 v1, v4;
	_ =	sdelay $0x1  }
0x29: {  	v3 =	vadd.s32 v1, v3;
	_ =	sdelay $0x2  }
0x2a: {  	[tilespmem:s17], [sflag:$0x1] =	stream.indirect_vreg.gather [hbm4b:s1+s3], $0x80, v4, vm0, $0xb8;
	[tilespmem:$0x10200] =	vst v63  }
0x2b: {  	_ = 	snop  }
0x2c: {  	[tilespmem:s18], [sflag:$0x1] =	stream.indirect_vreg.gather [hbm4b:s1+s3], $0x80, v3, vm0, $0xb8;
	[tilespmem:$0x10200] =	vst v63  }
0x2d: {  	v3 =	vld [tilespmem:$0x20];
	_ =	sdelay $0x4  }
0x2e: {  	v34 =	vshll.u32 v3, $0x1  }
0x2f: {  	v3 =	vand.u32 $0x7, v3;
	v4 =	vand.u32 $0xFFFFFFF0, v34  }
0x30: {  	v3 =	vor.u32 v3, v4  }
0x31: {  	v4 =	vperm.xlane v3, v0;
	_ =	sdelay $0x1  }
0x32: {  	v3 =	vperm.xlane v3, v2;
	v4 =	vadd.s32 v1, v4;
	_ =	sdelay $0x1  }
0x33: {  	v3 =	vadd.s32 v1, v3;
	_ =	sdelay $0x2  }
0x34: {  	[tilespmem:s19], [sflag:$0x1] =	stream.indirect_vreg.gather [hbm4b:s1+s3], $0x80, v4, vm0, $0xb8;
	[tilespmem:$0x10200] =	vst v63  }
0x35: {  	_ = 	snop  }
0x36: {  	[tilespmem:s20], [sflag:$0x1] =	stream.indirect_vreg.gather [hbm4b:s1+s3], $0x80, v3, vm0, $0xb8;
	[tilespmem:$0x10200] =	vst v63  }
0x37: {  	v3 =	vld [tilespmem:$0x30];
	_ =	sdelay $0x4  }
0x38: {  	v35 =	vshll.u32 v3, $0x1  }
0x39: {  	v3 =	vand.u32 $0x7, v3;
	v4 =	vand.u32 $0xFFFFFFF0, v35  }
0x3a: {  	v3 =	vor.u32 v3, v4  }
0x3b: {  	v4 =	vperm.xlane v3, v0;
	_ =	sdelay $0x1  }
0x3c: {  	v3 =	vperm.xlane v3, v2;
	v4 =	vadd.s32 v1, v4;
	_ =	sdelay $0x1  }
0x3d: {  	v3 =	vadd.s32 v1, v3;
	_ =	sdelay $0x2  }
0x3e: {  	[tilespmem:s21], [sflag:$0x1] =	stream.indirect_vreg.gather [hbm4b:s1+s3], $0x80, v4, vm0, $0xb8;
	[tilespmem:$0x10200] =	vst v63  }
0x3f: {  	_ = 	snop  }
0x40: {  	[tilespmem:s22], [sflag:$0x1] =	stream.indirect_vreg.gather [hbm4b:s1+s3], $0x80, v3, vm0, $0xb8;
	[tilespmem:$0x10200] =	vst v63  }
0x41: {  	v3 =	vld [tilespmem:$0x40];
	_ =	sdelay $0x4  }
0x42: {  	v36 =	vshll.u32 v3, $0x1  }
0x43: {  	v3 =	vand.u32 $0x7, v3;
	v4 =	vand.u32 $0xFFFFFFF0, v36  }
0x44: {  	v3 =	vor.u32 v3, v4  }
0x45: {  	v4 =	vperm.xlane v3, v0;
	_ =	sdelay $0x1  }
0x46: {  	v3 =	vperm.xlane v3, v2;
	v4 =	vadd.s32 v1, v4;
	_ =	sdelay $0x1  }
0x47: {  	v3 =	vadd.s32 v1, v3;
	_ =	sdelay $0x2  }
0x48: {  	[tilespmem:s24], [sflag:$0x1] =	stream.indirect_vreg.gather [hbm4b:s1+s3], $0x80, v4, vm0, $0xb8;
	[tilespmem:$0x10200] =	vst v63  }
0x49: {  	_ = 	snop  }
0x4a: {  	[tilespmem:s25], [sflag:$0x1] =	stream.indirect_vreg.gather [hbm4b:s1+s3], $0x80, v3, vm0, $0xb8;
	[tilespmem:$0x10200] =	vst v63  }
0x4b: {  	v3 =	vld [tilespmem:$0x50];
	_ =	sdelay $0x4  }
0x4c: {  	v37 =	vshll.u32 v3, $0x1  }
0x4d: {  	v3 =	vand.u32 $0x7, v3;
	v4 =	vand.u32 $0xFFFFFFF0, v37  }
0x4e: {  	v3 =	vor.u32 v3, v4  }
0x4f: {  	v4 =	vperm.xlane v3, v0;
	_ =	sdelay $0x1  }
0x50: {  	v3 =	vperm.xlane v3, v2;
	v4 =	vadd.s32 v1, v4;
	_ =	sdelay $0x1  }
0x51: {  	v3 =	vadd.s32 v1, v3;
	_ =	sdelay $0x2  }
0x52: {  	[tilespmem:s26], [sflag:$0x1] =	stream.indirect_vreg.gather [hbm4b:s1+s3], $0x80, v4, vm0, $0xb8;
	[tilespmem:$0x10200] =	vst v63  }
0x53: {  	_ = 	snop  }
0x54: {  	[tilespmem:s28], [sflag:$0x1] =	stream.indirect_vreg.gather [hbm4b:s1+s3], $0x80, v3, vm0, $0xb8;
	[tilespmem:$0x10200] =	vst v63  }
0x55: {  	v3 =	vld [tilespmem:$0x60];
	_ =	sdelay $0x4  }
0x56: {  	v38 =	vshll.u32 v3, $0x1  }
0x57: {  	v3 =	vand.u32 $0x7, v3;
	v4 =	vand.u32 $0xFFFFFFF0, v38  }
0x58: {  	v3 =	vor.u32 v3, v4  }
0x59: {  	v4 =	vperm.xlane v3, v0;
	_ =	sdelay $0x1  }
0x5a: {  	v3 =	vperm.xlane v3, v2;
	v4 =	vadd.s32 v1, v4;
	_ =	sdelay $0x1  }
0x5b: {  	v3 =	vadd.s32 v1, v3;
	_ =	sdelay $0x2  }
0x5c: {  	[tilespmem:s29], [sflag:$0x1] =	stream.indirect_vreg.gather [hbm4b:s1+s3], $0x80, v4, vm0, $0xb8;
	[tilespmem:$0x10200] =	vst v63  }
0x5d: {  	_ = 	snop  }
0x5e: {  	[tilespmem:s30], [sflag:$0x1] =	stream.indirect_vreg.gather [hbm4b:s1+s3], $0x80, v3, vm0, $0xb8;
	[tilespmem:$0x10200] =	vst v63  }
0x5f: {  	v3 =	vld [tilespmem:$0x70];
	_ =	sdelay $0x4  }
0x60: {  	v39 =	vshll.u32 v3, $0x1  }
0x61: {  	v3 =	vand.u32 $0x7, v3;
	v4 =	vand.u32 $0xFFFFFFF0, v39  }
0x62: {  	v3 =	vor.u32 v3, v4  }
0x63: {  	v4 =	vperm.xlane v3, v0;
	_ =	sdelay $0x1  }
0x64: {  	v3 =	vperm.xlane v3, v2;
	v4 =	vadd.s32 v1, v4;
	_ =	sdelay $0x1  }
0x65: {  	v3 =	vadd.s32 v1, v3;
	_ =	sdelay $0x2  }
0x66: {  	[tilespmem:s31], [sflag:$0x1] =	stream.indirect_vreg.gather [hbm4b:s1+s3], $0x80, v4, vm0, $0xb8;
	[tilespmem:$0x10200] =	vst v63  }
0x67: {  	s2 =	simm.s32 $0x7A00  }
0x68: {  	[tilespmem:s2], [sflag:$0x1] =	stream.indirect_vreg.gather [hbm4b:s1+s3], $0x80, v3, vm0, $0xb8;
	[tilespmem:$0x10200] =	vst v63  }
0x69: {  	v3 =	vld [tilespmem:$0x80];
	_ =	sdelay $0x4  }
0x6a: {  	v40 =	vshll.u32 v3, $0x1  }
0x6b: {  	v3 =	vand.u32 $0x7, v3;
	v4 =	vand.u32 $0xFFFFFFF0, v40  }
0x6c: {  	v3 =	vor.u32 v3, v4  }
0x6d: {  	v4 =	vperm.xlane v3, v0;
	_ =	sdelay $0x1  }
0x6e: {  	v3 =	vperm.xlane v3, v2;
	v4 =	vadd.s32 v1, v4;
	_ =	sdelay $0x1  }
0x6f: {  	v3 =	vadd.s32 v1, v3;
	_ =	sdelay $0x1  }
0x70: {  	s0 =	simm.s32 $0x8200  }
0x71: {  	[tilespmem:s0], [sflag:$0x2] =	stream.indirect_vreg.gather [hbm4b:s1+s3], $0x80, v4, vm0, $0xb8;
	[tilespmem:$0x10200] =	vst v63  }
0x72: {  	_ = 	snop  }
0x73: {  	[tilespmem:s23], [sflag:$0x2] =	stream.indirect_vreg.gather [hbm4b:s1+s3], $0x80, v3, vm0, $0xb8;
	[tilespmem:$0x10200] =	vst v63  }
0x74: {  	v3 =	vld [tilespmem:$0x90];
	_ =	sdelay $0x4  }
0x75: {  	v41 =	vshll.u32 v3, $0x1  }
0x76: {  	v3 =	vand.u32 $0x7, v3;
	v4 =	vand.u32 $0xFFFFFFF0, v41  }
0x77: {  	v3 =	vor.u32 v3, v4  }
0x78: {  	v4 =	vperm.xlane v3, v0;
	_ =	sdelay $0x1  }
0x79: {  	v3 =	vperm.xlane v3, v2;
	v4 =	vadd.s32 v1, v4;
	_ =	sdelay $0x1  }
0x7a: {  	v3 =	vadd.s32 v1, v3;
	_ =	sdelay $0x2  }
0x7b: {  	[tilespmem:s8], [sflag:$0x2] =	stream.indirect_vreg.gather [hbm4b:s1+s3], $0x80, v4, vm0, $0xb8;
	[tilespmem:$0x10200] =	vst v63  }
0x7c: {  	_ = 	snop  }
0x7d: {  	[tilespmem:s9], [sflag:$0x2] =	stream.indirect_vreg.gather [hbm4b:s1+s3], $0x80, v3, vm0, $0xb8;
	[tilespmem:$0x10200] =	vst v63  }
0x7e: {  	v3 =	vld [tilespmem:$0xA0];
	_ =	sdelay $0x4  }
0x7f: {  	v42 =	vshll.u32 v3, $0x1  }
0x80: {  	v3 =	vand.u32 $0x7, v3;
	v4 =	vand.u32 $0xFFFFFFF0, v42  }
0x81: {  	v3 =	vor.u32 v3, v4  }
0x82: {  	v4 =	vperm.xlane v3, v0;
	_ =	sdelay $0x1  }
0x83: {  	v3 =	vperm.xlane v3, v2;
	v4 =	vadd.s32 v1, v4;
	_ =	sdelay $0x1  }
0x84: {  	v3 =	vadd.s32 v1, v3;
	_ =	sdelay $0x2  }
0x85: {  	[tilespmem:s10], [sflag:$0x2] =	stream.indirect_vreg.gather [hbm4b:s1+s3], $0x80, v4, vm0, $0xb8;
	[tilespmem:$0x10200] =	vst v63  }
0x86: {  	_ = 	snop  }
0x87: {  	[tilespmem:s11], [sflag:$0x2] =	stream.indirect_vreg.gather [hbm4b:s1+s3], $0x80, v3, vm0, $0xb8;
	[tilespmem:$0x10200] =	vst v63  }
0x88: {  	v3 =	vld [tilespmem:$0xB0];
	_ =	sdelay $0x4  }
0x89: {  	v43 =	vshll.u32 v3, $0x1  }
0x8a: {  	v3 =	vand.u32 $0x7, v3;
	v4 =	vand.u32 $0xFFFFFFF0, v43  }
0x8b: {  	v3 =	vor.u32 v3, v4  }
0x8c: {  	v4 =	vperm.xlane v3, v0;
	_ =	sdelay $0x1  }
0x8d: {  	v3 =	vperm.xlane v3, v2;
	v4 =	vadd.s32 v1, v4;
	_ =	sdelay $0x1  }
0x8e: {  	v3 =	vadd.s32 v1, v3;
	_ =	sdelay $0x1  }
0x8f: {  	s7 =	simm.s32 $0xB200  }
0x90: {  	[tilespmem:s7], [sflag:$0x2] =	stream.indirect_vreg.gather [hbm4b:s1+s3], $0x80, v4, vm0, $0xb8;
	[tilespmem:$0x10200] =	vst v63  }
0x91: {  	_ = 	snop  }
0x92: {  	[tilespmem:s13], [sflag:$0x2] =	stream.indirect_vreg.gather [hbm4b:s1+s3], $0x80, v3, vm0, $0xb8;
	[tilespmem:$0x10200] =	vst v63  }
0x93: {  	v3 =	vld [tilespmem:$0xC0];
	_ =	sdelay $0x4  }
0x94: {  	v44 =	vshll.u32 v3, $0x1  }
0x95: {  	v3 =	vand.u32 $0x7, v3;
	v4 =	vand.u32 $0xFFFFFFF0, v44  }
0x96: {  	v3 =	vor.u32 v3, v4  }
0x97: {  	v4 =	vperm.xlane v3, v0;
	_ =	sdelay $0x1  }
0x98: {  	v3 =	vperm.xlane v3, v2;
	v4 =	vadd.s32 v1, v4;
	_ =	sdelay $0x1  }
0x99: {  	v3 =	vadd.s32 v1, v3;
	_ =	sdelay $0x1  }
0x9a: {  	s7 =	simm.s32 $0xC200  }
0x9b: {  	[tilespmem:s7], [sflag:$0x2] =	stream.indirect_vreg.gather [hbm4b:s1+s3], $0x80, v4, vm0, $0xb8;
	[tilespmem:$0x10200] =	vst v63  }
0x9c: {  	s12 =	simm.s32 $0xCA00  }
0x9d: {  	[tilespmem:s12], [sflag:$0x2] =	stream.indirect_vreg.gather [hbm4b:s1+s3], $0x80, v3, vm0, $0xb8;
	[tilespmem:$0x10200] =	vst v63  }
0x9e: {  	v3 =	vld [tilespmem:$0xD0];
	_ =	sdelay $0x4  }
0x9f: {  	v45 =	vshll.u32 v3, $0x1  }
0xa0: {  	v3 =	vand.u32 $0x7, v3;
	v4 =	vand.u32 $0xFFFFFFF0, v45  }
0xa1: {  	v3 =	vor.u32 v3, v4  }
0xa2: {  	v4 =	vperm.xlane v3, v0;
	_ =	sdelay $0x1  }
0xa3: {  	v3 =	vperm.xlane v3, v2;
	v4 =	vadd.s32 v1, v4;
	_ =	sdelay $0x1  }
0xa4: {  	v3 =	vadd.s32 v1, v3;
	_ =	sdelay $0x1  }
0xa5: {  	s12 =	simm.s32 $0xD200  }
0xa6: {  	[tilespmem:s12], [sflag:$0x2] =	stream.indirect_vreg.gather [hbm4b:s1+s3], $0x80, v4, vm0, $0xb8;
	[tilespmem:$0x10200] =	vst v63  }
0xa7: {  	s12 =	simm.s32 $0xDA00  }
0xa8: {  	[tilespmem:s12], [sflag:$0x2] =	stream.indirect_vreg.gather [hbm4b:s1+s3], $0x80, v3, vm0, $0xb8;
	[tilespmem:$0x10200] =	vst v63  }
0xa9: {  	v3 =	vld [tilespmem:$0xE0];
	_ =	sdelay $0x4  }
0xaa: {  	v46 =	vshll.u32 v3, $0x1  }
0xab: {  	v3 =	vand.u32 $0x7, v3;
	v4 =	vand.u32 $0xFFFFFFF0, v46  }
0xac: {  	v3 =	vor.u32 v3, v4  }
0xad: {  	v4 =	vperm.xlane v3, v0;
	_ =	sdelay $0x1  }
0xae: {  	v3 =	vperm.xlane v3, v2;
	v4 =	vadd.s32 v1, v4;
	_ =	sdelay $0x1  }
0xaf: {  	v3 =	vadd.s32 v1, v3;
	_ =	sdelay $0x1  }
0xb0: {  	s12 =	simm.s32 $0xE200  }
0xb1: {  	[tilespmem:s12], [sflag:$0x2] =	stream.indirect_vreg.gather [hbm4b:s1+s3], $0x80, v4, vm0, $0xb8;
	[tilespmem:$0x10200] =	vst v63  }
0xb2: {  	s12 =	simm.s32 $0xEA00  }
0xb3: {  	[tilespmem:s12], [sflag:$0x2] =	stream.indirect_vreg.gather [hbm4b:s1+s3], $0x80, v3, vm0, $0xb8;
	[tilespmem:$0x10200] =	vst v63  }
0xb4: {  	v3 =	vld [tilespmem:$0xF0];
	_ =	sdelay $0x4  }
0xb5: {  	v47 =	vshll.u32 v3, $0x1  }
0xb6: {  	v3 =	vand.u32 $0x7, v3;
	v4 =	vand.u32 $0xFFFFFFF0, v47  }
0xb7: {  	v3 =	vor.u32 v3, v4  }
0xb8: {  	v4 =	vperm.xlane v3, v0;
	_ =	sdelay $0x1  }
0xb9: {  	v3 =	vperm.xlane v3, v2;
	v4 =	vadd.s32 v1, v4;
	_ =	sdelay $0x1  }
0xba: {  	v3 =	vadd.s32 v1, v3;
	_ =	sdelay $0x1  }
0xbb: {  	s12 =	simm.s32 $0xF200  }
0xbc: {  	[tilespmem:s12], [sflag:$0x2] =	stream.indirect_vreg.gather [hbm4b:s1+s3], $0x80, v4, vm0, $0xb8;
	[tilespmem:$0x10200] =	vst v63  }
0xbd: {  	s12 =	simm.s32 $0xFA00  }
0xbe: {  	[tilespmem:s12], [sflag:$0x2] =	stream.indirect_vreg.gather [hbm4b:s1+s3], $0x80, v3, vm0, $0xb8;
	[tilespmem:$0x10200] =	vst v63  }
0xbf: {  	_ =	swait.ge [sflag:s4], $0x8000  }
0xc0: {  	[sflag:s4] =	ssyncset.done $0x0  }
0xc1: {  	s12 =	rddreg [dreg:$0x8];
	[sflag:s4] =	ssyncadd.s32 $0xFFFF8000  }
0xc2: {  	[hbm4b:s12+s3] =	stream.linear.scatter [tilespmem:s14], [sflag:$0x3], $0x8000, $0x38;
	[tilespmem:$0x10200] =	vst v63  }
0xc3: {  	_ =	swait.ge [sflag:s6], $0x8000  }
0xc4: {  	[sflag:s6] =	ssyncset.done $0x0  }
0xc5: {  	[sflag:s6] =	ssyncadd.s32 $0xFFFF8000  }
0xc6: {  	v3 =	vld [tilespmem:$0x100];
	_ =	sdelay $0x4  }
0xc7: {  	v48 =	vshll.u32 v3, $0x1  }
0xc8: {  	v3 =	vand.u32 $0x7, v3;
	v4 =	vand.u32 $0xFFFFFFF0, v48  }
0xc9: {  	v3 =	vor.u32 v3, v4  }
0xca: {  	v4 =	vperm.xlane v3, v0;
	_ =	sdelay $0x1  }
0xcb: {  	v3 =	vperm.xlane v3, v2;
	v4 =	vadd.s32 v1, v4;
	_ =	sdelay $0x1  }
0xcc: {  	v3 =	vadd.s32 v1, v3;
	_ =	sdelay $0x2  }
0xcd: {  	[tilespmem:s14], [sflag:$0x1] =	stream.indirect_vreg.gather [hbm4b:s1+s3], $0x80, v4, vm0, $0xb8;
	[tilespmem:$0x10200] =	vst v63  }
0xce: {  	_ = 	snop  }
0xcf: {  	[tilespmem:s16], [sflag:$0x1] =	stream.indirect_vreg.gather [hbm4b:s1+s3], $0x80, v3, vm0, $0xb8;
	[tilespmem:$0x10200] =	vst v63  }
0xd0: {  	v3 =	vld [tilespmem:$0x110];
	_ =	sdelay $0x4  }
0xd1: {  	v49 =	vshll.u32 v3, $0x1  }
0xd2: {  	v3 =	vand.u32 $0x7, v3;
	v4 =	vand.u32 $0xFFFFFFF0, v49  }
0xd3: {  	v3 =	vor.u32 v3, v4  }
0xd4: {  	v4 =	vperm.xlane v3, v0;
	_ =	sdelay $0x1  }
0xd5: {  	v3 =	vperm.xlane v3, v2;
	v4 =	vadd.s32 v1, v4;
	_ =	sdelay $0x1  }
0xd6: {  	v3 =	vadd.s32 v1, v3;
	_ =	sdelay $0x2  }
0xd7: {  	[tilespmem:s17], [sflag:$0x1] =	stream.indirect_vreg.gather [hbm4b:s1+s3], $0x80, v4, vm0, $0xb8;
	[tilespmem:$0x10200] =	vst v63  }
0xd8: {  	_ = 	snop  }
0xd9: {  	[tilespmem:s18], [sflag:$0x1] =	stream.indirect_vreg.gather [hbm4b:s1+s3], $0x80, v3, vm0, $0xb8;
	[tilespmem:$0x10200] =	vst v63  }
0xda: {  	v3 =	vld [tilespmem:$0x120];
	_ =	sdelay $0x4  }
0xdb: {  	v50 =	vshll.u32 v3, $0x1  }
0xdc: {  	v3 =	vand.u32 $0x7, v3;
	v4 =	vand.u32 $0xFFFFFFF0, v50  }
0xdd: {  	v3 =	vor.u32 v3, v4  }
0xde: {  	v4 =	vperm.xlane v3, v0;
	_ =	sdelay $0x1  }
0xdf: {  	v3 =	vperm.xlane v3, v2;
	v4 =	vadd.s32 v1, v4;
	_ =	sdelay $0x1  }
0xe0: {  	v3 =	vadd.s32 v1, v3;
	_ =	sdelay $0x2  }
0xe1: {  	[tilespmem:s19], [sflag:$0x1] =	stream.indirect_vreg.gather [hbm4b:s1+s3], $0x80, v4, vm0, $0xb8;
	[tilespmem:$0x10200] =	vst v63  }
0xe2: {  	_ = 	snop  }
0xe3: {  	[tilespmem:s20], [sflag:$0x1] =	stream.indirect_vreg.gather [hbm4b:s1+s3], $0x80, v3, vm0, $0xb8;
	[tilespmem:$0x10200] =	vst v63  }
0xe4: {  	v3 =	vld [tilespmem:$0x130];
	_ =	sdelay $0x4  }
0xe5: {  	v51 =	vshll.u32 v3, $0x1  }
0xe6: {  	v3 =	vand.u32 $0x7, v3;
	v4 =	vand.u32 $0xFFFFFFF0, v51  }
0xe7: {  	v3 =	vor.u32 v3, v4  }
0xe8: {  	v4 =	vperm.xlane v3, v0;
	_ =	sdelay $0x1  }
0xe9: {  	v3 =	vperm.xlane v3, v2;
	v4 =	vadd.s32 v1, v4;
	_ =	sdelay $0x1  }
0xea: {  	v3 =	vadd.s32 v1, v3;
	_ =	sdelay $0x2  }
0xeb: {  	[tilespmem:s21], [sflag:$0x1] =	stream.indirect_vreg.gather [hbm4b:s1+s3], $0x80, v4, vm0, $0xb8;
	[tilespmem:$0x10200] =	vst v63  }
0xec: {  	_ = 	snop  }
0xed: {  	[tilespmem:s22], [sflag:$0x1] =	stream.indirect_vreg.gather [hbm4b:s1+s3], $0x80, v3, vm0, $0xb8;
	[tilespmem:$0x10200] =	vst v63  }
0xee: {  	v3 =	vld [tilespmem:$0x140];
	_ =	sdelay $0x4  }
0xef: {  	v52 =	vshll.u32 v3, $0x1  }
0xf0: {  	v3 =	vand.u32 $0x7, v3;
	v4 =	vand.u32 $0xFFFFFFF0, v52  }
0xf1: {  	v3 =	vor.u32 v3, v4  }
0xf2: {  	v4 =	vperm.xlane v3, v0;
	_ =	sdelay $0x1  }
0xf3: {  	v3 =	vperm.xlane v3, v2;
	v4 =	vadd.s32 v1, v4;
	_ =	sdelay $0x1  }
0xf4: {  	v3 =	vadd.s32 v1, v3;
	_ =	sdelay $0x2  }
0xf5: {  	[tilespmem:s24], [sflag:$0x1] =	stream.indirect_vreg.gather [hbm4b:s1+s3], $0x80, v4, vm0, $0xb8;
	[tilespmem:$0x10200] =	vst v63  }
0xf6: {  	_ = 	snop  }
0xf7: {  	[tilespmem:s25], [sflag:$0x1] =	stream.indirect_vreg.gather [hbm4b:s1+s3], $0x80, v3, vm0, $0xb8;
	[tilespmem:$0x10200] =	vst v63  }
0xf8: {  	v3 =	vld [tilespmem:$0x150];
	_ =	sdelay $0x4  }
0xf9: {  	v53 =	vshll.u32 v3, $0x1  }
0xfa: {  	v3 =	vand.u32 $0x7, v3;
	v4 =	vand.u32 $0xFFFFFFF0, v53  }
0xfb: {  	v3 =	vor.u32 v3, v4  }
0xfc: {  	v4 =	vperm.xlane v3, v0;
	_ =	sdelay $0x1  }
0xfd: {  	v3 =	vperm.xlane v3, v2;
	v4 =	vadd.s32 v1, v4;
	_ =	sdelay $0x1  }
0xfe: {  	v3 =	vadd.s32 v1, v3;
	_ =	sdelay $0x2  }
0xff: {  	[tilespmem:s26], [sflag:$0x1] =	stream.indirect_vreg.gather [hbm4b:s1+s3], $0x80, v4, vm0, $0xb8;
	[tilespmem:$0x10200] =	vst v63  }
0x100: {  	_ = 	snop  }
0x101: {  	[tilespmem:s28], [sflag:$0x1] =	stream.indirect_vreg.gather [hbm4b:s1+s3], $0x80, v3, vm0, $0xb8;
	[tilespmem:$0x10200] =	vst v63  }
0x102: {  	v3 =	vld [tilespmem:$0x160];
	_ =	sdelay $0x4  }
0x103: {  	v54 =	vshll.u32 v3, $0x1  }
0x104: {  	v3 =	vand.u32 $0x7, v3;
	v4 =	vand.u32 $0xFFFFFFF0, v54  }
0x105: {  	v3 =	vor.u32 v3, v4  }
0x106: {  	v4 =	vperm.xlane v3, v0;
	_ =	sdelay $0x1  }
0x107: {  	v3 =	vperm.xlane v3, v2;
	v4 =	vadd.s32 v1, v4;
	_ =	sdelay $0x1  }
0x108: {  	v3 =	vadd.s32 v1, v3;
	_ =	sdelay $0x2  }
0x109: {  	[tilespmem:s29], [sflag:$0x1] =	stream.indirect_vreg.gather [hbm4b:s1+s3], $0x80, v4, vm0, $0xb8;
	[tilespmem:$0x10200] =	vst v63  }
0x10a: {  	_ = 	snop  }
0x10b: {  	[tilespmem:s30], [sflag:$0x1] =	stream.indirect_vreg.gather [hbm4b:s1+s3], $0x80, v3, vm0, $0xb8;
	[tilespmem:$0x10200] =	vst v63  }
0x10c: {  	v3 =	vld [tilespmem:$0x170];
	_ =	sdelay $0x4  }
0x10d: {  	v55 =	vshll.u32 v3, $0x1  }
0x10e: {  	v3 =	vand.u32 $0x7, v3;
	v4 =	vand.u32 $0xFFFFFFF0, v55  }
0x10f: {  	v3 =	vor.u32 v3, v4  }
0x110: {  	v4 =	vperm.xlane v3, v0;
	_ =	sdelay $0x1  }
0x111: {  	v3 =	vperm.xlane v3, v2;
	v4 =	vadd.s32 v1, v4;
	_ =	sdelay $0x1  }
0x112: {  	v3 =	vadd.s32 v1, v3;
	_ =	sdelay $0x2  }
0x113: {  	[tilespmem:s31], [sflag:$0x1] =	stream.indirect_vreg.gather [hbm4b:s1+s3], $0x80, v4, vm0, $0xb8;
	[tilespmem:$0x10200] =	vst v63  }
0x114: {  	_ = 	snop  }
0x115: {  	[tilespmem:s2], [sflag:$0x1] =	stream.indirect_vreg.gather [hbm4b:s1+s3], $0x80, v3, vm0, $0xb8;
	[tilespmem:$0x10200] =	vst v63  }
0x116: {  	_ =	swait.ge [sflag:s15], $0x8000  }
0x117: {  	[sflag:s15] =	ssyncset.done $0x0  }
0x118: {  	s2 =	rddreg [dreg:$0x5];
	[sflag:s15] =	ssyncadd.s32 $0xFFFF8000  }
0x119: {  	[hbm4b:s2+s3] =	stream.linear.scatter [tilespmem:s0], [sflag:$0x3], $0x8000, $0x38;
	[tilespmem:$0x10200] =	vst v63  }
0x11a: {  	_ =	swait.ge [sflag:s6], $0x8000  }
0x11b: {  	[sflag:s6] =	ssyncset.done $0x0  }
0x11c: {  	[sflag:s6] =	ssyncadd.s32 $0xFFFF8000  }
0x11d: {  	v3 =	vld [tilespmem:$0x180];
	_ =	sdelay $0x4  }
0x11e: {  	v56 =	vshll.u32 v3, $0x1  }
0x11f: {  	v3 =	vand.u32 $0x7, v3;
	v4 =	vand.u32 $0xFFFFFFF0, v56  }
0x120: {  	v3 =	vor.u32 v3, v4  }
0x121: {  	v4 =	vperm.xlane v3, v0;
	_ =	sdelay $0x1  }
0x122: {  	v3 =	vperm.xlane v3, v2;
	v4 =	vadd.s32 v1, v4;
	_ =	sdelay $0x1  }
0x123: {  	v3 =	vadd.s32 v1, v3;
	_ =	sdelay $0x2  }
0x124: {  	[tilespmem:s0], [sflag:$0x2] =	stream.indirect_vreg.gather [hbm4b:s1+s3], $0x80, v4, vm0, $0xb8;
	[tilespmem:$0x10200] =	vst v63  }
0x125: {  	_ = 	snop  }
0x126: {  	[tilespmem:s23], [sflag:$0x2] =	stream.indirect_vreg.gather [hbm4b:s1+s3], $0x80, v3, vm0, $0xb8;
	[tilespmem:$0x10200] =	vst v63  }
0x127: {  	v3 =	vld [tilespmem:$0x190];
	_ =	sdelay $0x4  }
0x128: {  	v57 =	vshll.u32 v3, $0x1  }
0x129: {  	v3 =	vand.u32 $0x7, v3;
	v4 =	vand.u32 $0xFFFFFFF0, v57  }
0x12a: {  	v3 =	vor.u32 v3, v4  }
0x12b: {  	v4 =	vperm.xlane v3, v0;
	_ =	sdelay $0x1  }
0x12c: {  	v3 =	vperm.xlane v3, v2;
	v4 =	vadd.s32 v1, v4;
	_ =	sdelay $0x1  }
0x12d: {  	v3 =	vadd.s32 v1, v3;
	_ =	sdelay $0x2  }
0x12e: {  	[tilespmem:s8], [sflag:$0x2] =	stream.indirect_vreg.gather [hbm4b:s1+s3], $0x80, v4, vm0, $0xb8;
	[tilespmem:$0x10200] =	vst v63  }
0x12f: {  	_ = 	snop  }
0x130: {  	[tilespmem:s9], [sflag:$0x2] =	stream.indirect_vreg.gather [hbm4b:s1+s3], $0x80, v3, vm0, $0xb8;
	[tilespmem:$0x10200] =	vst v63  }
0x131: {  	v3 =	vld [tilespmem:$0x1A0];
	_ =	sdelay $0x4  }
0x132: {  	v58 =	vshll.u32 v3, $0x1  }
0x133: {  	v3 =	vand.u32 $0x7, v3;
	v4 =	vand.u32 $0xFFFFFFF0, v58  }
0x134: {  	v3 =	vor.u32 v3, v4  }
0x135: {  	v4 =	vperm.xlane v3, v0;
	_ =	sdelay $0x1  }
0x136: {  	v3 =	vperm.xlane v3, v2;
	v4 =	vadd.s32 v1, v4;
	_ =	sdelay $0x1  }
0x137: {  	v3 =	vadd.s32 v1, v3;
	_ =	sdelay $0x2  }
0x138: {  	[tilespmem:s10], [sflag:$0x2] =	stream.indirect_vreg.gather [hbm4b:s1+s3], $0x80, v4, vm0, $0xb8;
	[tilespmem:$0x10200] =	vst v63  }
0x139: {  	_ = 	snop  }
0x13a: {  	[tilespmem:s11], [sflag:$0x2] =	stream.indirect_vreg.gather [hbm4b:s1+s3], $0x80, v3, vm0, $0xb8;
	[tilespmem:$0x10200] =	vst v63  }
0x13b: {  	v3 =	vld [tilespmem:$0x1B0];
	_ =	sdelay $0x4  }
0x13c: {  	v59 =	vshll.u32 v3, $0x1  }
0x13d: {  	v3 =	vand.u32 $0x7, v3;
	v4 =	vand.u32 $0xFFFFFFF0, v59  }
0x13e: {  	v3 =	vor.u32 v3, v4  }
0x13f: {  	v4 =	vperm.xlane v3, v0;
	_ =	sdelay $0x1  }
0x140: {  	v3 =	vperm.xlane v3, v2;
	v4 =	vadd.s32 v1, v4;
	_ =	sdelay $0x1  }
0x141: {  	v3 =	vadd.s32 v1, v3;
	_ =	sdelay $0x1  }
0x142: {  	s16 =	simm.s32 $0xB200  }
0x143: {  	[tilespmem:s16], [sflag:$0x2] =	stream.indirect_vreg.gather [hbm4b:s1+s3], $0x80, v4, vm0, $0xb8;
	[tilespmem:$0x10200] =	vst v63  }
0x144: {  	_ = 	snop  }
0x145: {  	[tilespmem:s13], [sflag:$0x2] =	stream.indirect_vreg.gather [hbm4b:s1+s3], $0x80, v3, vm0, $0xb8;
	[tilespmem:$0x10200] =	vst v63  }
0x146: {  	v3 =	vld [tilespmem:$0x1C0];
	_ =	sdelay $0x4  }
0x147: {  	v60 =	vshll.u32 v3, $0x1  }
0x148: {  	v3 =	vand.u32 $0x7, v3;
	v4 =	vand.u32 $0xFFFFFFF0, v60  }
0x149: {  	v3 =	vor.u32 v3, v4  }
0x14a: {  	v4 =	vperm.xlane v3, v0;
	_ =	sdelay $0x1  }
0x14b: {  	v3 =	vperm.xlane v3, v2;
	v4 =	vadd.s32 v1, v4;
	_ =	sdelay $0x1  }
0x14c: {  	v3 =	vadd.s32 v1, v3;
	_ =	sdelay $0x2  }
0x14d: {  	[tilespmem:s7], [sflag:$0x2] =	stream.indirect_vreg.gather [hbm4b:s1+s3], $0x80, v4, vm0, $0xb8;
	[tilespmem:$0x10200] =	vst v63  }
0x14e: {  	s16 =	simm.s32 $0xCA00  }
0x14f: {  	[tilespmem:s16], [sflag:$0x2] =	stream.indirect_vreg.gather [hbm4b:s1+s3], $0x80, v3, vm0, $0xb8;
	[tilespmem:$0x10200] =	vst v63  }
0x150: {  	v3 =	vld [tilespmem:$0x1D0];
	_ =	sdelay $0x4  }
0x151: {  	v61 =	vshll.u32 v3, $0x1  }
0x152: {  	v3 =	vand.u32 $0x7, v3;
	v4 =	vand.u32 $0xFFFFFFF0, v61  }
0x153: {  	v3 =	vor.u32 v3, v4  }
0x154: {  	v4 =	vperm.xlane v3, v0;
	_ =	sdelay $0x1  }
0x155: {  	v3 =	vperm.xlane v3, v2;
	v4 =	vadd.s32 v1, v4;
	_ =	sdelay $0x1  }
0x156: {  	v3 =	vadd.s32 v1, v3;
	_ =	sdelay $0x1  }
0x157: {  	s7 =	simm.s32 $0xD200  }
0x158: {  	[tilespmem:s7], [sflag:$0x2] =	stream.indirect_vreg.gather [hbm4b:s1+s3], $0x80, v4, vm0, $0xb8;
	[tilespmem:$0x10200] =	vst v63  }
0x159: {  	s16 =	simm.s32 $0xDA00  }
0x15a: {  	[tilespmem:s16], [sflag:$0x2] =	stream.indirect_vreg.gather [hbm4b:s1+s3], $0x80, v3, vm0, $0xb8;
	[tilespmem:$0x10200] =	vst v63  }
0x15b: {  	v3 =	vld [tilespmem:$0x1E0];
	_ =	sdelay $0x4  }
0x15c: {  	v62 =	vshll.u32 v3, $0x1  }
0x15d: {  	v3 =	vand.u32 $0x7, v3;
	v4 =	vand.u32 $0xFFFFFFF0, v62  }
0x15e: {  	v3 =	vor.u32 v3, v4  }
0x15f: {  	v4 =	vperm.xlane v3, v0;
	_ =	sdelay $0x1  }
0x160: {  	v3 =	vperm.xlane v3, v2;
	v4 =	vadd.s32 v1, v4;
	_ =	sdelay $0x1  }
0x161: {  	v3 =	vadd.s32 v1, v3;
	_ =	sdelay $0x1  }
0x162: {  	s7 =	simm.s32 $0xE200  }
0x163: {  	[tilespmem:s7], [sflag:$0x2] =	stream.indirect_vreg.gather [hbm4b:s1+s3], $0x80, v4, vm0, $0xb8;
	[tilespmem:$0x10200] =	vst v63  }
0x164: {  	s16 =	simm.s32 $0xEA00  }
0x165: {  	[tilespmem:s16], [sflag:$0x2] =	stream.indirect_vreg.gather [hbm4b:s1+s3], $0x80, v3, vm0, $0xb8;
	[tilespmem:$0x10200] =	vst v63  }
0x166: {  	v3 =	vld [tilespmem:$0x1F0];
	_ =	sdelay $0x4  }
0x167: {  	v63 =	vshll.u32 v3, $0x1  }
0x168: {  	v3 =	vand.u32 $0x7, v3;
	v4 =	vand.u32 $0xFFFFFFF0, v63  }
0x169: {  	v3 =	vor.u32 v3, v4  }
0x16a: {  	v4 =	vperm.xlane v3, v0;
	_ =	sdelay $0x1  }
0x16b: {  	v3 =	vperm.xlane v3, v2;
	v4 =	vadd.s32 v1, v4;
	_ =	sdelay $0x1  }
0x16c: {  	v3 =	vadd.s32 v1, v3;
	_ =	sdelay $0x1  }
0x16d: {  	s7 =	simm.s32 $0xF200  }
0x16e: {  	[tilespmem:s7], [sflag:$0x2] =	stream.indirect_vreg.gather [hbm4b:s1+s3], $0x80, v4, vm0, $0xb8;
	[tilespmem:$0x10200] =	vst v63  }
0x16f: {  	s16 =	simm.s32 $0xFA00  }
0x170: {  	[tilespmem:s16], [sflag:$0x2] =	stream.indirect_vreg.gather [hbm4b:s1+s3], $0x80, v3, vm0, $0xb8;
	[tilespmem:$0x10200] =	vst v63  }
0x171: {  	_ =	swait.ge [sflag:s4], $0x8000  }
0x172: {  	[sflag:s4] =	ssyncset.done $0x0  }
0x173: {  	s12 =	simm.s32 $0x200;
	s7 =	rddreg [dreg:$0x6];
	[sflag:s4] =	ssyncadd.s32 $0xFFFF8000  }
0x174: {  	[hbm4b:s7+s3] =	stream.linear.scatter [tilespmem:s12], [sflag:$0x3], $0x8000, $0x38;
	[tilespmem:$0x10200] =	vst v63  }
0x175: {  	_ =	swait.ge [sflag:s6], $0x8000  }
0x176: {  	[sflag:s6] =	ssyncset.done $0x0  }
0x177: {  	[sflag:s6] =	ssyncadd.s32 $0xFFFF8000  }
0x178: {  	_ =	swait.ge [sflag:s15], $0x8000  }
0x179: {  	p0 =	sne.s32 s5, $0x1;
	[sflag:s15] =	ssyncset.done $0x0  }
.Ltmp0:
0x17a: {  	s12 =	rddreg [dreg:$0x7];
	[sflag:s15] =	ssyncadd.s32 $0xFFFF8000;
	(pc) =	sbr.rel @p0 .LBB2_1-.Ltmp0, $4  }
0x17b: {  	[hbm4b:s12+s3] =	stream.linear.scatter [tilespmem:s0], [sflag:$0x3], $0x8000, $0x38;
	[tilespmem:$0x10200] =	vst v63  }
0x17c: {  	_ =	swait.ge [sflag:s6], $0x8000  }
0x17d: {  	[sflag:s6] =	ssyncset.done $0x0  }
0x17e: {  	s5 =	sadd.s32 $0xFFFFFFFF, s5;
	[sflag:s6] =	ssyncadd.s32 $0xFFFF8000  }
0x17f: {  	_ =	sfence.sel $0x180000  }
0x180: {  	[bflag:$0x0] =	sbarrier.arrive $0xFFFF  }
0x181: {  	_ =	strace $0x90000047  }
0x182: {  	s0 =	stileid.u32;
	[bflag:$0x2] =	sbarrier.arrive $0xFFFF  }
0x183: {  	p0 =	sne.s32 s0, $0x0;
	s0 =	rddreg [dreg:$0x3]  }
0x184: {  	s0 =	sadd.s32 @!p0 $0x100000, s0  }
0x185: {  	[sflag:s0] =	ssyncadd.tile.s32 @!p0 $0x1;
	_ =	shalt  }
.Lfunc_end2:
_tile_overlayer_lowered:
.L_overlay_start_2:
0x186: {  	(tag) =	ssettag $0x2  }
0x187: {  	s0 =	rddreg [dreg:$0x0];
	s2 =	stileid.u32  }
0x188: {  	s1 =	rddreg [dreg:$0x1];
	p0 =	sne.s32 s2, $0x0  }
0x189: {  	s3 =	rddreg [dreg:$0x2];
	[bflag:$0x3] =	sbarrier.arrive $0xFFFF;
	s2 =	simm.s32 @!p0 $0x1C03  }
0x18a: {  	[timem:s3], [sflag:s2] =	dma.local @!p0 [hbm:s0], s1  }
0x18b: {  	s0 =	simm.s32 @!p0 $0x3  }
0x18c: {  	_ =	swait.ge @!p0 [sflag:s0], s1  }
0x18d: {  	s1 =	ssub.s32 @!p0 $0x0, s1;
	[sflag:s0] =	ssyncset.done @!p0 $0x0  }
0x18e: {  	[sflag:s0] =	ssyncadd.s32 @!p0 s1  }
0x18f: {  	[bflag:$0x3] =	sbarrier.arrive $0xFFFF  }
0x190: {  	_ =	shalt  }

</sc_bundles>
